<compile_context>
chip_gen: v7x
topology: tpu7x:2x2x1
jax: 0.10.2.dev20260603
libtpu: 0.0.44.dev20260713+nightly
codegen_flags: <defaults>
</compile_context>

<pallas_src>
import jax
import jax.numpy as jnp
from jax import lax
from jax.experimental import pallas as pl
from jax.experimental.pallas import tpu as pltpu
from jax.experimental.pallas import tpu_sc as plsc

_NC = 2
_NS = 16
_NW = _NC * _NS
_CH1 = 80
_CH2 = 100
_NB = 5
_NB2 = 2



def _make_seg1(N, D, E, ch):
    nch = (E // _NW) // ch
    ngr = nch // _NB
    RPT = N // _NS
    mesh = plsc.VectorSubcoreMesh(core_axis_name="c", subcore_axis_name="s",
                                  num_cores=_NC, num_subcores=_NS)

    def body(table, src3, dst3, zmat, zvec, ones_h, sums, cnts,
             srcv, dstv, rowsv, acc, cacc, onesv, *sems):
        c = lax.axis_index("c")
        s = lax.axis_index("s")
        wid = c * _NS + s
        pltpu.sync_copy(src3.at[wid], srcv)
        pltpu.sync_copy(dst3.at[wid], dstv)
        pltpu.sync_copy(ones_h, onesv)
        pltpu.sync_copy(zmat, acc.at[pl.ds(s * RPT, RPT)])

        @pl.when(s == 0)
        def _zero_cnt():
            pltpu.sync_copy(zvec, cacc)

        plsc.subcore_barrier()

        for b in range(_NB):
            pltpu.async_copy(table.at[srcv.at[b]], rowsv.at[b], sems[b])

        def group(g, carry):
            for b in range(_NB):
                j = g * _NB + b
                pltpu.make_async_copy(
                    table.at[srcv.at[j]], rowsv.at[b], sems[b]).wait()
                pltpu.sync_copy(rowsv.at[b], acc.at[dstv.at[j]], add=True)
                pltpu.sync_copy(onesv, cacc.at[dstv.at[j]], add=True)

                @pl.when(g < ngr - 1)
                def _refill():
                    pltpu.async_copy(
                        table.at[srcv.at[j + _NB]], rowsv.at[b], sems[b])

            return carry

        lax.fori_loop(0, ngr, group, 0)
        plsc.subcore_barrier()
        pltpu.sync_copy(acc.at[pl.ds(s * RPT, RPT)],
                        sums.at[c, pl.ds(s * RPT, RPT)])

        @pl.when(s == 0)
        def _read_cnt():
            pltpu.sync_copy(cacc, cnts.at[c])

    return pl.kernel(
        body,
        out_type=[jax.ShapeDtypeStruct((_NC, N, D), jnp.float32),
                  jax.ShapeDtypeStruct((_NC, N), jnp.float32)],
        mesh=mesh,
        scratch_types=[
            pltpu.VMEM((nch, ch), jnp.int32),
            pltpu.VMEM((nch, ch), jnp.int32),
            pltpu.VMEM((_NB, ch, D), jnp.float32),
            pltpu.VMEM_SHARED((N, D), jnp.float32),
            pltpu.VMEM_SHARED((N,), jnp.float32),
            pltpu.VMEM((ch,), jnp.float32),
        ] + [pltpu.SemaphoreType.DMA] * _NB,
        compiler_params=pltpu.CompilerParams(use_tc_tiling_on_sc=False))


def _make_seg2(N, D, E, ch, nb):
    nch = (E // _NW) // ch
    ngr = nch // nb
    RPT = N // _NS
    mesh = plsc.VectorSubcoreMesh(core_axis_name="c", subcore_axis_name="s",
                                  num_cores=_NC, num_subcores=_NS)

    def body(ta, tb, src3, dst3, zmat, sa, sb,
             srcv, dstv, rowsv, acc, *sems):
        c = lax.axis_index("c")
        s = lax.axis_index("s")
        wid = c * _NS + s
        pltpu.sync_copy(src3.at[wid], srcv)
        pltpu.sync_copy(dst3.at[wid], dstv)

        for table, out in ((ta, sa), (tb, sb)):
            pltpu.sync_copy(zmat, acc.at[pl.ds(s * RPT, RPT)])
            plsc.subcore_barrier()

            for b in range(nb):
                pltpu.async_copy(table.at[srcv.at[b]], rowsv.at[b], sems[b])

            def group(g, carry):
                for b in range(nb):
                    j = g * nb + b
                    pltpu.make_async_copy(
                        table.at[srcv.at[j]], rowsv.at[b], sems[b]).wait()
                    pltpu.sync_copy(rowsv.at[b], acc.at[dstv.at[j]], add=True)

                    @pl.when(g < ngr - 1)
                    def _refill():
                        pltpu.async_copy(
                            table.at[srcv.at[j + nb]], rowsv.at[b], sems[b])

                return carry

            lax.fori_loop(0, ngr, group, 0)
            plsc.subcore_barrier()
            pltpu.sync_copy(acc.at[pl.ds(s * RPT, RPT)],
                            out.at[c, pl.ds(s * RPT, RPT)])

    return pl.kernel(
        body,
        out_type=[jax.ShapeDtypeStruct((_NC, N, D), jnp.float32),
                  jax.ShapeDtypeStruct((_NC, N, D), jnp.float32)],
        mesh=mesh,
        scratch_types=[
            pltpu.VMEM((nch, ch), jnp.int32),
            pltpu.VMEM((nch, ch), jnp.int32),
            pltpu.VMEM((nb, ch, D), jnp.float32),
            pltpu.VMEM_SHARED((N, D), jnp.float32),
        ] + [pltpu.SemaphoreType.DMA] * nb,
        compiler_params=pltpu.CompilerParams(use_tc_tiling_on_sc=False))



def _dg(a, w):
    return lax.dot_general(a, w, (((1,), (1,)), ((), ())),
                           preferred_element_type=jnp.float32)


def _proj_body(x_ref, wp_ref, bp_ref, o_ref):
    o_ref[...] = jax.nn.relu(_dg(x_ref[...], wp_ref[...]) + bp_ref[...])


def _h1_body(s1_ref, cnt_ref, xe_ref, wl_ref, bl_ref, wr_ref, oa_ref, ob_ref):
    cnt = cnt_ref[0] + cnt_ref[1]
    mean = (s1_ref[0] + s1_ref[1]) / jnp.maximum(cnt, 1.0)
    h = jax.nn.relu(_dg(mean, wl_ref[...]) + bl_ref[...]
                    + _dg(xe_ref[...], wr_ref[...]))
    half = h.shape[1] // 2
    oa_ref[...] = h[:, :half]
    ob_ref[...] = h[:, half:]


def _out_body(sa_ref, sb_ref, cnt_ref, h1a_ref, h1b_ref, wl2_ref, wr2_ref,
              bl2_ref, w1_ref, b1_ref, w2_ref, b2_ref, o_ref):
    hh = h1a_ref.shape[1]
    hid_dim = wl2_ref.shape[0]
    r = 1.0 / jnp.maximum(cnt_ref[0] + cnt_ref[1], 1.0)
    ma = (sa_ref[0] + sa_ref[1]) * r
    mb = (sb_ref[0] + sb_ref[1]) * r
    h2 = (_dg(ma, wl2_ref[:, :hh]) + _dg(mb, wl2_ref[:, hh:]) + bl2_ref[...]
          + _dg(h1a_ref[...], wr2_ref[:, :hh])
          + _dg(h1b_ref[...], wr2_ref[:, hh:]))
    w1f = w1_ref[:, :hid_dim] + w1_ref[:, hid_dim:]
    hid = jax.nn.relu(_dg(h2, w1f) + b1_ref[...])
    o_ref[...] = _dg(hid, w2_ref[...]) + b2_ref[...]


def _full(shape):
    return pl.BlockSpec(shape, lambda i: tuple(0 for _ in shape))


def _rows(R, *rest):
    def imap(i):
        return (i,) + tuple(0 for _ in rest)

    return pl.BlockSpec((R,) + tuple(rest), imap)


def _mid(R, lead, *rest):
    def imap(i):
        return (0, i) + tuple(0 for _ in rest)

    return pl.BlockSpec((lead, R) + tuple(rest), imap)



def kernel(x, edge_index, Wp, bp, Wl1, bl1, Wr1, Wl2, bl2, Wr2, W1, b1, W2, b2):
    N, IN = x.shape
    E = edge_index.shape[1]
    HID = Wl1.shape[0]
    D1 = Wp.shape[0]
    HH = HID // 2
    RPT = N // _NS
    R = 1000
    G = N // R
    f32 = jnp.float32

    src1 = edge_index[0].reshape(_NW, -1, _CH1)
    dst1 = edge_index[1].reshape(_NW, -1, _CH1)
    src2 = edge_index[0].reshape(_NW, -1, _CH2)
    dst2 = edge_index[1].reshape(_NW, -1, _CH2)
    zmat1 = jnp.zeros((RPT, D1), f32)
    zmat2 = jnp.zeros((RPT, HH), f32)
    zvec = jnp.zeros((N,), f32)
    ones = jnp.ones((_CH1,), f32)

    x_emb = pl.pallas_call(
        _proj_body,
        grid=(G,),
        in_specs=[_rows(R, IN), _full((D1, IN)), _full((1, D1))],
        out_specs=_rows(R, D1),
        out_shape=jax.ShapeDtypeStruct((N, D1), f32),
    )(x, Wp, bp.reshape(1, -1))

    s1, cnt = _make_seg1(N, D1, E, _CH1)(x_emb, src1, dst1, zmat1, zvec, ones)
    cnt3 = cnt.reshape(_NC, N, 1)

    h1a, h1b = pl.pallas_call(
        _h1_body,
        grid=(G,),
        in_specs=[_mid(R, _NC, D1), _mid(R, _NC, 1), _rows(R, D1),
                  _full((HID, D1)), _full((1, HID)), _full((HID, D1))],
        out_specs=[_rows(R, HH), _rows(R, HH)],
        out_shape=[jax.ShapeDtypeStruct((N, HH), f32),
                   jax.ShapeDtypeStruct((N, HH), f32)],
    )(s1, cnt3, x_emb, Wl1, bl1.reshape(1, -1), Wr1)

    s2a, s2b = _make_seg2(N, HH, E, _CH2, _NB2)(h1a, h1b, src2, dst2, zmat2)

    out = pl.pallas_call(
        _out_body,
        grid=(G,),
        in_specs=[_mid(R, _NC, HH), _mid(R, _NC, HH), _mid(R, _NC, 1),
                  _rows(R, HH), _rows(R, HH),
                  _full((HID, HID)), _full((HID, HID)), _full((1, HID)),
                  _full((HID, 2 * HID)), _full((1, HID)),
                  _full((2, HID)), _full((1, 2))],
        out_specs=_rows(R, 2),
        out_shape=jax.ShapeDtypeStruct((N, 2), f32),
    )(s2a, s2b, cnt3, h1a, h1b,
      Wl2, Wr2, bl2.reshape(1, -1), W1, b1.reshape(1, -1), W2,
      b2.reshape(1, -1))

    return out

# --- scband reference (transcript-rebuilt; emitter-appended) ---
"""Pipeline reference for scband-gaapmodel-b-893353198383 (READ-ONLY COPY).

The authoritative reference and input builder live on the scoring server;
editing this copy changes nothing except your own understanding.
"""

import jax, jax.numpy as jnp
import numpy as np

N = 10000
E = 320000
IN_DIM = 128
HID = 256


def setup_inputs(seed: int = 0) -> dict:
    key = jax.random.key(seed)
    ks = jax.random.split(key, 16)

    def winit(k, shape, fan_in):
        return (jax.random.normal(k, shape, dtype=jnp.float32) / np.sqrt(fan_in)).astype(jnp.float32)

    inp = {}
    inp['x'] = jax.random.normal(ks[0], (N, IN_DIM), dtype=jnp.float32)
    inp['edge_index'] = jax.random.randint(ks[1], (2, E), 0, N, dtype=jnp.int32)
    # input_proj: Linear(in_dim=128 -> 64)
    inp['Wp'] = winit(ks[2], (64, IN_DIM), IN_DIM)
    inp['bp'] = jnp.zeros((64,), jnp.float32)
    # sage1: SAGEConv(64 -> 256): lin_l (neighbor agg, with bias), lin_r (root, no bias)
    inp['Wl1'] = winit(ks[3], (HID, 64), 64)
    inp['bl1'] = jnp.zeros((HID,), jnp.float32)
    inp['Wr1'] = winit(ks[4], (HID, 64), 64)
    # sage2: SAGEConv(256 -> 256)
    inp['Wl2'] = winit(ks[5], (HID, HID), HID)
    inp['bl2'] = jnp.zeros((HID,), jnp.float32)
    inp['Wr2'] = winit(ks[6], (HID, HID), HID)
    # mlp: Linear(512 -> 256), ReLU, Dropout(eval), Linear(256 -> 2)
    inp['W1'] = winit(ks[7], (HID, 2 * HID), 2 * HID)
    inp['b1'] = jnp.zeros((HID,), jnp.float32)
    inp['W2'] = winit(ks[8], (2, HID), HID)
    inp['b2'] = jnp.zeros((2,), jnp.float32)
    return inp


def _sage_conv(h, src, dst, Wl, bl, Wr):
    # PyG SAGEConv with mean aggregation:
    # out = lin_l(mean_{j in N(i)} h_j) + lin_r(h_i)
    msg = h[src]  # gather over edges (memory-bound)
    summed = jax.ops.segment_sum(msg, dst, num_segments=N)
    cnt = jax.ops.segment_sum(jnp.ones((src.shape[0],), jnp.float32), dst, num_segments=N)
    mean = summed / jnp.maximum(cnt, 1.0)[:, None]
    return mean @ Wl.T + bl + h @ Wr.T


def reference(x, edge_index, Wp, bp, Wl1, bl1, Wr1, Wl2, bl2, Wr2, W1, b1, W2, b2):
    src = edge_index[0]
    dst = edge_index[1]
    # input projection + relu
    x_emb = jax.nn.relu(x @ Wp.T + bp)
    # sage1 + relu (dropout is identity in eval mode)
    h = jax.nn.relu(_sage_conv(x_emb, src, dst, Wl1, bl1, Wr1))
    # sage2
    h = _sage_conv(h, src, dst, Wl2, bl2, Wr2)
    # global_cache is None -> h_cat = cat([h, h], dim=1)
    h_cat = jnp.concatenate([h, h], axis=1)
    # mlp
    hidden = jax.nn.relu(h_cat @ W1.T + b1)
    out = hidden @ W2.T + b2
    return out

if __name__ == "__main__":
    import jax
    _d = setup_inputs()
    print(jax.jit(kernel)(*tuple(_d.values())))

</pallas_src>

<mosaic_0001>
#map = affine_map<(d0, d1) -> (0, 0)>
#map1 = affine_map<(d0, d1) -> (0, 0, 0)>
module attributes {stable_mosaic.version = 14 : i64} {
  func.func @body(%arg0: i32, %arg1: i32, %arg2: memref<10000x128xf32, #tpu.memory_space<hbm>>, %arg3: memref<10000x128xf32, #tpu.memory_space<hbm>>, %arg4: memref<32x100x100xi32, #tpu.memory_space<hbm>>, %arg5: memref<32x100x100xi32, #tpu.memory_space<hbm>>, %arg6: memref<625x128xf32, #tpu.memory_space<hbm>>, %arg7: memref<2x10000x128xf32, #tpu.memory_space<hbm>>, %arg8: memref<2x10000x128xf32, #tpu.memory_space<hbm>>, %arg9: memref<100x100xi32, #tpu.memory_space<vmem>>, %arg10: memref<100x100xi32, #tpu.memory_space<vmem>>, %arg11: memref<2x100x128xf32, #tpu.memory_space<vmem>>, %arg12: memref<10000x128xf32, #tpu.memory_space<vmem_shared>>, %arg13: memref<!tpu.dma_semaphore, #tpu.memory_space<semaphore_mem>>, %arg14: memref<!tpu.dma_semaphore, #tpu.memory_space<semaphore_mem>>) attributes {dimension_semantics = [#tpu.dimension_semantics<core_parallel>, #tpu.dimension_semantics<subcore_parallel>], iteration_bounds = array<i64: 2, 16>, scalar_prefetch = 0 : i64, scratch_operands = 6 : i64, tpu.core_type = #tpu.core_type<sc_vector_subcore>, window_params = [{transform_indices = #map}, {transform_indices = #map}, {transform_indices = #map1}, {transform_indices = #map1}, {transform_indices = #map}, {transform_indices = #map1}, {transform_indices = #map1}]} {
    %mul3A = arith.constant 16 : i32
    %mul3A_0 = arith.muli %arg0, %mul3A : i32
    %add3A = arith.addi %mul3A_0, %arg1 : i32
    "tpu.region"() ({
      %run_scoped3A = tpu.sem_alloc : memref<!tpu.dma_semaphore, #tpu.memory_space<semaphore_mem>>
      %dma_start3A_74 = arith.constant 0 : i32
      %dma_start3A_75 = arith.constant 0 : i32
      %dma_start3A_76 = tpu.memref_slice %arg4[%add3A, %dma_start3A_74, %dma_start3A_75] : memref<32x100x100xi32, #tpu.memory_space<hbm>> -> memref<1x100x100xi32, #tpu.memory_space<hbm>>
      %dma_start3A_77 = tpu.memref_squeeze %dma_start3A_76 : memref<1x100x100xi32, #tpu.memory_space<hbm>> -> memref<100x100xi32, #tpu.memory_space<hbm>>
      %dma_start3A_78 = arith.constant 0 : i32
      %dma_start3A_79 = arith.constant 0 : i32
      %dma_start3A_80 = tpu.memref_slice %arg4[%add3A, %dma_start3A_78, %dma_start3A_79] : memref<32x100x100xi32, #tpu.memory_space<hbm>> -> memref<1x100x100xi32, #tpu.memory_space<hbm>>
      %dma_start3A_81 = tpu.memref_squeeze %dma_start3A_80 : memref<1x100x100xi32, #tpu.memory_space<hbm>> -> memref<100x100xi32, #tpu.memory_space<hbm>>
      tpu.enqueue_dma source(%dma_start3A_81 : memref<100x100xi32, #tpu.memory_space<hbm>>) target(%arg9 : memref<100x100xi32, #tpu.memory_space<vmem>>) target_semaphore(%run_scoped3A : memref<!tpu.dma_semaphore, #tpu.memory_space<semaphore_mem>>)
      %dma_wait3A = arith.constant 0 : i32
      %dma_wait3A_82 = arith.constant 0 : i32
      %dma_wait3A_83 = tpu.memref_slice %arg4[%add3A, %dma_wait3A, %dma_wait3A_82] : memref<32x100x100xi32, #tpu.memory_space<hbm>> -> memref<1x100x100xi32, #tpu.memory_space<hbm>>
      %dma_wait3A_84 = tpu.memref_squeeze %dma_wait3A_83 : memref<1x100x100xi32, #tpu.memory_space<hbm>> -> memref<100x100xi32, #tpu.memory_space<hbm>>
      %dma_wait3A_85 = arith.constant 0 : i32
      %dma_wait3A_86 = arith.constant 0 : i32
      %dma_wait3A_87 = tpu.memref_slice %arg4[%add3A, %dma_wait3A_85, %dma_wait3A_86] : memref<32x100x100xi32, #tpu.memory_space<hbm>> -> memref<1x100x100xi32, #tpu.memory_space<hbm>>
      %dma_wait3A_88 = tpu.memref_squeeze %dma_wait3A_87 : memref<1x100x100xi32, #tpu.memory_space<hbm>> -> memref<100x100xi32, #tpu.memory_space<hbm>>
      tpu.wait_dma2 semaphore(%run_scoped3A : memref<!tpu.dma_semaphore, #tpu.memory_space<semaphore_mem>>) src(%dma_wait3A_88 : memref<100x100xi32, #tpu.memory_space<hbm>>) dst(%arg9 : memref<100x100xi32, #tpu.memory_space<vmem>>)
      tpu.yield
    }) : () -> ()
    "tpu.region"() ({
      %run_scoped3A = tpu.sem_alloc : memref<!tpu.dma_semaphore, #tpu.memory_space<semaphore_mem>>
      %dma_start3A_74 = arith.constant 0 : i32
      %dma_start3A_75 = arith.constant 0 : i32
      %dma_start3A_76 = tpu.memref_slice %arg5[%add3A, %dma_start3A_74, %dma_start3A_75] : memref<32x100x100xi32, #tpu.memory_space<hbm>> -> memref<1x100x100xi32, #tpu.memory_space<hbm>>
      %dma_start3A_77 = tpu.memref_squeeze %dma_start3A_76 : memref<1x100x100xi32, #tpu.memory_space<hbm>> -> memref<100x100xi32, #tpu.memory_space<hbm>>
      %dma_start3A_78 = arith.constant 0 : i32
      %dma_start3A_79 = arith.constant 0 : i32
      %dma_start3A_80 = tpu.memref_slice %arg5[%add3A, %dma_start3A_78, %dma_start3A_79] : memref<32x100x100xi32, #tpu.memory_space<hbm>> -> memref<1x100x100xi32, #tpu.memory_space<hbm>>
      %dma_start3A_81 = tpu.memref_squeeze %dma_start3A_80 : memref<1x100x100xi32, #tpu.memory_space<hbm>> -> memref<100x100xi32, #tpu.memory_space<hbm>>
      tpu.enqueue_dma source(%dma_start3A_81 : memref<100x100xi32, #tpu.memory_space<hbm>>) target(%arg10 : memref<100x100xi32, #tpu.memory_space<vmem>>) target_semaphore(%run_scoped3A : memref<!tpu.dma_semaphore, #tpu.memory_space<semaphore_mem>>)
      %dma_wait3A = arith.constant 0 : i32
      %dma_wait3A_82 = arith.constant 0 : i32
      %dma_wait3A_83 = tpu.memref_slice %arg5[%add3A, %dma_wait3A, %dma_wait3A_82] : memref<32x100x100xi32, #tpu.memory_space<hbm>> -> memref<1x100x100xi32, #tpu.memory_space<hbm>>
      %dma_wait3A_84 = tpu.memref_squeeze %dma_wait3A_83 : memref<1x100x100xi32, #tpu.memory_space<hbm>> -> memref<100x100xi32, #tpu.memory_space<hbm>>
      %dma_wait3A_85 = arith.constant 0 : i32
      %dma_wait3A_86 = arith.constant 0 : i32
      %dma_wait3A_87 = tpu.memref_slice %arg5[%add3A, %dma_wait3A_85, %dma_wait3A_86] : memref<32x100x100xi32, #tpu.memory_space<hbm>> -> memref<1x100x100xi32, #tpu.memory_space<hbm>>
      %dma_wait3A_88 = tpu.memref_squeeze %dma_wait3A_87 : memref<1x100x100xi32, #tpu.memory_space<hbm>> -> memref<100x100xi32, #tpu.memory_space<hbm>>
      tpu.wait_dma2 semaphore(%run_scoped3A : memref<!tpu.dma_semaphore, #tpu.memory_space<semaphore_mem>>) src(%dma_wait3A_88 : memref<100x100xi32, #tpu.memory_space<hbm>>) dst(%arg10 : memref<100x100xi32, #tpu.memory_space<vmem>>)
      tpu.yield
    }) : () -> ()
    %mul3A_1 = arith.constant 625 : i32
    %mul3A_2 = arith.muli %arg1, %mul3A_1 : i32
    "tpu.region"() ({
      %run_scoped3A = tpu.sem_alloc : memref<!tpu.dma_semaphore, #tpu.memory_space<semaphore_mem>>
      %dma_start3A_74 = arith.constant 0 : i32
      %dma_start3A_75 = tpu.memref_slice %arg12[%mul3A_2, %dma_start3A_74] : memref<10000x128xf32, #tpu.memory_space<vmem_shared>> -> memref<625x128xf32, #tpu.memory_space<vmem_shared>>
      tpu.enqueue_dma source(%arg6 : memref<625x128xf32, #tpu.memory_space<hbm>>) target(%dma_start3A_75 : memref<625x128xf32, #tpu.memory_space<vmem_shared>>) target_semaphore(%run_scoped3A : memref<!tpu.dma_semaphore, #tpu.memory_space<semaphore_mem>>)
      %dma_wait3A = arith.constant 0 : i32
      %dma_wait3A_76 = tpu.memref_slice %arg12[%mul3A_2, %dma_wait3A] : memref<10000x128xf32, #tpu.memory_space<vmem_shared>> -> memref<625x128xf32, #tpu.memory_space<vmem_shared>>
      tpu.wait_dma2 semaphore(%run_scoped3A : memref<!tpu.dma_semaphore, #tpu.memory_space<semaphore_mem>>) src(%arg6 : memref<625x128xf32, #tpu.memory_space<hbm>>) dst(%dma_wait3A_76 : memref<625x128xf32, #tpu.memory_space<vmem_shared>>)
      tpu.yield
    }) : () -> ()
    %barrier3A = arith.constant 0 : index
    tpu.barrier barrier_id(%barrier3A)
    %dma_start3A = arith.constant 0 : i32
    %dma_start3A_3 = arith.constant 0 : i32
    %dma_start3A_4 = arith.constant 0 : i32
    %dma_start3A_5 = arith.constant 0 : i32
    %dma_start3A_6 = tpu.memref_slice %arg11[%dma_start3A_3, %dma_start3A_4, %dma_start3A_5] : memref<2x100x128xf32, #tpu.memory_space<vmem>> -> memref<1x100x128xf32, #tpu.memory_space<vmem>>
    %dma_start3A_7 = tpu.memref_squeeze %dma_start3A_6 : memref<1x100x128xf32, #tpu.memory_space<vmem>> -> memref<100x128xf32, #tpu.memory_space<vmem>>
    %dma_start3A_8 = arith.constant 0 : i32
    %dma_start3A_9 = tpu.memref_slice %arg9[%dma_start3A, %dma_start3A_8] : memref<100x100xi32, #tpu.memory_space<vmem>> -> memref<1x100xi32, #tpu.memory_space<vmem>>
    %dma_start3A_10 = tpu.memref_squeeze %dma_start3A_9 : memref<1x100xi32, #tpu.memory_space<vmem>> -> memref<100xi32, #tpu.memory_space<vmem>>
    %dma_start3A_11 = arith.constant 0 : i32
    %dma_start3A_12 = arith.constant 0 : i32
    %dma_start3A_13 = tpu.memref_slice %arg2[%dma_start3A_11, %dma_start3A_12] : memref<10000x128xf32, #tpu.memory_space<hbm>> -> memref<10000x128xf32, #tpu.memory_space<hbm>>
    tpu.enqueue_indirect_dma source(%dma_start3A_13 : memref<10000x128xf32, #tpu.memory_space<hbm>>) target(%dma_start3A_7 : memref<100x128xf32, #tpu.memory_space<vmem>>) offsets(%dma_start3A_10 : memref<100xi32, #tpu.memory_space<vmem>>) semaphore(%arg13 : memref<!tpu.dma_semaphore, #tpu.memory_space<semaphore_mem>>)
    %dma_start3A_14 = arith.constant 1 : i32
    %dma_start3A_15 = arith.constant 1 : i32
    %dma_start3A_16 = arith.constant 0 : i32
    %dma_start3A_17 = arith.constant 0 : i32
    %dma_start3A_18 = tpu.memref_slice %arg11[%dma_start3A_15, %dma_start3A_16, %dma_start3A_17] : memref<2x100x128xf32, #tpu.memory_space<vmem>> -> memref<1x100x128xf32, #tpu.memory_space<vmem>>
    %dma_start3A_19 = tpu.memref_squeeze %dma_start3A_18 : memref<1x100x128xf32, #tpu.memory_space<vmem>> -> memref<100x128xf32, #tpu.memory_space<vmem>>
    %dma_start3A_20 = arith.constant 0 : i32
    %dma_start3A_21 = tpu.memref_slice %arg9[%dma_start3A_14, %dma_start3A_20] : memref<100x100xi32, #tpu.memory_space<vmem>> -> memref<1x100xi32, #tpu.memory_space<vmem>>
    %dma_start3A_22 = tpu.memref_squeeze %dma_start3A_21 : memref<1x100xi32, #tpu.memory_space<vmem>> -> memref<100xi32, #tpu.memory_space<vmem>>
    %dma_start3A_23 = arith.constant 0 : i32
    %dma_start3A_24 = arith.constant 0 : i32
    %dma_start3A_25 = tpu.memref_slice %arg2[%dma_start3A_23, %dma_start3A_24] : memref<10000x128xf32, #tpu.memory_space<hbm>> -> memref<10000x128xf32, #tpu.memory_space<hbm>>
    tpu.enqueue_indirect_dma source(%dma_start3A_25 : memref<10000x128xf32, #tpu.memory_space<hbm>>) target(%dma_start3A_19 : memref<100x128xf32, #tpu.memory_space<vmem>>) offsets(%dma_start3A_22 : memref<100xi32, #tpu.memory_space<vmem>>) semaphore(%arg14 : memref<!tpu.dma_semaphore, #tpu.memory_space<semaphore_mem>>)
    %scan3A = arith.constant 0 : i32
    %scan3A_26 = arith.constant 0 : i32
    %scan3A_27 = arith.constant 50 : i32
    %scan3A_28 = arith.addi %scan3A_26, %scan3A_27 : i32
    %scan3A_29 = arith.constant 1 : i32
    scf.for %scan3A_74 = %scan3A_26 to %scan3A_28 step %scan3A_29  : i32 {
      %mul3A_75 = arith.constant 2 : i32
      %mul3A_76 = arith.muli %scan3A_74, %mul3A_75 : i32
      %add3A_77 = arith.constant 0 : i32
      %add3A_78 = arith.addi %mul3A_76, %add3A_77 : i32
      %dma_wait3A = arith.constant 0 : i32
      %dma_wait3A_79 = arith.constant 0 : i32
      %dma_wait3A_80 = arith.constant 0 : i32
      %dma_wait3A_81 = tpu.memref_slice %arg11[%dma_wait3A, %dma_wait3A_79, %dma_wait3A_80] : memref<2x100x128xf32, #tpu.memory_space<vmem>> -> memref<1x100x128xf32, #tpu.memory_space<vmem>>
      %dma_wait3A_82 = tpu.memref_squeeze %dma_wait3A_81 : memref<1x100x128xf32, #tpu.memory_space<vmem>> -> memref<100x128xf32, #tpu.memory_space<vmem>>
      %dma_wait3A_83 = arith.constant 0 : i32
      %dma_wait3A_84 = tpu.memref_slice %arg9[%add3A_78, %dma_wait3A_83] : memref<100x100xi32, #tpu.memory_space<vmem>> -> memref<1x100xi32, #tpu.memory_space<vmem>>
      %dma_wait3A_85 = tpu.memref_squeeze %dma_wait3A_84 : memref<1x100xi32, #tpu.memory_space<vmem>> -> memref<100xi32, #tpu.memory_space<vmem>>
      %dma_wait3A_86 = arith.constant 0 : i32
      %dma_wait3A_87 = arith.constant 0 : i32
      %dma_wait3A_88 = tpu.memref_slice %arg2[%dma_wait3A_86, %dma_wait3A_87] : memref<10000x128xf32, #tpu.memory_space<hbm>> -> memref<10000x128xf32, #tpu.memory_space<hbm>>
      tpu.wait_indirect_dma semaphore(%arg13 : memref<!tpu.dma_semaphore, #tpu.memory_space<semaphore_mem>>) src(%dma_wait3A_88 : memref<10000x128xf32, #tpu.memory_space<hbm>>) dst(%dma_wait3A_82 : memref<100x128xf32, #tpu.memory_space<vmem>>)
      %run_scoped3A = arith.constant 0 : i32
      "tpu.region"() ({
        %run_scoped3A_112 = tpu.sem_alloc : memref<!tpu.dma_semaphore, #tpu.memory_space<semaphore_mem>>
        %dma_start3A_113 = arith.constant 0 : i32
        %dma_start3A_114 = arith.constant 0 : i32
        %dma_start3A_115 = tpu.memref_slice %arg11[%run_scoped3A, %dma_start3A_113, %dma_start3A_114] : memref<2x100x128xf32, #tpu.memory_space<vmem>> -> memref<1x100x128xf32, #tpu.memory_space<vmem>>
        %dma_start3A_116 = tpu.memref_squeeze %dma_start3A_115 : memref<1x100x128xf32, #tpu.memory_space<vmem>> -> memref<100x128xf32, #tpu.memory_space<vmem>>
        %dma_start3A_117 = arith.constant 0 : i32
        %dma_start3A_118 = tpu.memref_slice %arg10[%add3A_78, %dma_start3A_117] : memref<100x100xi32, #tpu.memory_space<vmem>> -> memref<1x100xi32, #tpu.memory_space<vmem>>
        %dma_start3A_119 = tpu.memref_squeeze %dma_start3A_118 : memref<1x100xi32, #tpu.memory_space<vmem>> -> memref<100xi32, #tpu.memory_space<vmem>>
        %dma_start3A_120 = arith.constant 0 : i32
        %dma_start3A_121 = arith.constant 0 : i32
        %dma_start3A_122 = tpu.memref_slice %arg12[%dma_start3A_120, %dma_start3A_121] : memref<10000x128xf32, #tpu.memory_space<vmem_shared>> -> memref<10000x128xf32, #tpu.memory_space<vmem_shared>>
        tpu.enqueue_indirect_dma source(%dma_start3A_116 : memref<100x128xf32, #tpu.memory_space<vmem>>) target(%dma_start3A_122 : memref<10000x128xf32, #tpu.memory_space<vmem_shared>>) offsets(%dma_start3A_119 : memref<100xi32, #tpu.memory_space<vmem>>) semaphore(%run_scoped3A_112 : memref<!tpu.dma_semaphore, #tpu.memory_space<semaphore_mem>>) {add = true}
        %dma_wait3A_123 = arith.constant 0 : i32
        %dma_wait3A_124 = arith.constant 0 : i32
        %dma_wait3A_125 = tpu.memref_slice %arg11[%run_scoped3A, %dma_wait3A_123, %dma_wait3A_124] : memref<2x100x128xf32, #tpu.memory_space<vmem>> -> memref<1x100x128xf32, #tpu.memory_space<vmem>>
        %dma_wait3A_126 = tpu.memref_squeeze %dma_wait3A_125 : memref<1x100x128xf32, #tpu.memory_space<vmem>> -> memref<100x128xf32, #tpu.memory_space<vmem>>
        %dma_wait3A_127 = arith.constant 0 : i32
        %dma_wait3A_128 = tpu.memref_slice %arg10[%add3A_78, %dma_wait3A_127] : memref<100x100xi32, #tpu.memory_space<vmem>> -> memref<1x100xi32, #tpu.memory_space<vmem>>
        %dma_wait3A_129 = tpu.memref_squeeze %dma_wait3A_128 : memref<1x100xi32, #tpu.memory_space<vmem>> -> memref<100xi32, #tpu.memory_space<vmem>>
        %dma_wait3A_130 = arith.constant 0 : i32
        %dma_wait3A_131 = arith.constant 0 : i32
        %dma_wait3A_132 = tpu.memref_slice %arg12[%dma_wait3A_130, %dma_wait3A_131] : memref<10000x128xf32, #tpu.memory_space<vmem_shared>> -> memref<10000x128xf32, #tpu.memory_space<vmem_shared>>
        tpu.wait_indirect_dma semaphore(%run_scoped3A_112 : memref<!tpu.dma_semaphore, #tpu.memory_space<semaphore_mem>>) src(%dma_wait3A_126 : memref<100x128xf32, #tpu.memory_space<vmem>>) dst(%dma_wait3A_132 : memref<10000x128xf32, #tpu.memory_space<vmem_shared>>)
        tpu.yield
      }) : () -> ()
      %lt3A = arith.constant 49 : i32
      %lt3A_89 = arith.cmpi slt, %scan3A_74, %lt3A : i32
      %convert_element_type3A = arith.extui %lt3A_89 : i1 to i32
      %cond3A = arith.constant 0 : i32
      %cond3A_90 = arith.cmpi ne, %convert_element_type3A, %cond3A : i32
      scf.if %cond3A_90 {
        %add3A_112 = arith.constant 2 : i32
        %add3A_113 = arith.addi %add3A_78, %add3A_112 : i32
        %dma_start3A_114 = arith.constant 0 : i32
        %dma_start3A_115 = arith.constant 0 : i32
        %dma_start3A_116 = arith.constant 0 : i32
        %dma_start3A_117 = tpu.memref_slice %arg11[%dma_start3A_114, %dma_start3A_115, %dma_start3A_116] : memref<2x100x128xf32, #tpu.memory_space<vmem>> -> memref<1x100x128xf32, #tpu.memory_space<vmem>>
        %dma_start3A_118 = tpu.memref_squeeze %dma_start3A_117 : memref<1x100x128xf32, #tpu.memory_space<vmem>> -> memref<100x128xf32, #tpu.memory_space<vmem>>
        %dma_start3A_119 = arith.constant 0 : i32
        %dma_start3A_120 = tpu.memref_slice %arg9[%add3A_113, %dma_start3A_119] : memref<100x100xi32, #tpu.memory_space<vmem>> -> memref<1x100xi32, #tpu.memory_space<vmem>>
        %dma_start3A_121 = tpu.memref_squeeze %dma_start3A_120 : memref<1x100xi32, #tpu.memory_space<vmem>> -> memref<100xi32, #tpu.memory_space<vmem>>
        %dma_start3A_122 = arith.constant 0 : i32
        %dma_start3A_123 = arith.constant 0 : i32
        %dma_start3A_124 = tpu.memref_slice %arg2[%dma_start3A_122, %dma_start3A_123] : memref<10000x128xf32, #tpu.memory_space<hbm>> -> memref<10000x128xf32, #tpu.memory_space<hbm>>
        tpu.enqueue_indirect_dma source(%dma_start3A_124 : memref<10000x128xf32, #tpu.memory_space<hbm>>) target(%dma_start3A_118 : memref<100x128xf32, #tpu.memory_space<vmem>>) offsets(%dma_start3A_121 : memref<100xi32, #tpu.memory_space<vmem>>) semaphore(%arg13 : memref<!tpu.dma_semaphore, #tpu.memory_space<semaphore_mem>>)
      } else {
      }
      %mul3A_91 = arith.constant 2 : i32
      %mul3A_92 = arith.muli %scan3A_74, %mul3A_91 : i32
      %add3A_93 = arith.constant 1 : i32
      %add3A_94 = arith.addi %mul3A_92, %add3A_93 : i32
      %dma_wait3A_95 = arith.constant 1 : i32
      %dma_wait3A_96 = arith.constant 0 : i32
      %dma_wait3A_97 = arith.constant 0 : i32
      %dma_wait3A_98 = tpu.memref_slice %arg11[%dma_wait3A_95, %dma_wait3A_96, %dma_wait3A_97] : memref<2x100x128xf32, #tpu.memory_space<vmem>> -> memref<1x100x128xf32, #tpu.memory_space<vmem>>
      %dma_wait3A_99 = tpu.memref_squeeze %dma_wait3A_98 : memref<1x100x128xf32, #tpu.memory_space<vmem>> -> memref<100x128xf32, #tpu.memory_space<vmem>>
      %dma_wait3A_100 = arith.constant 0 : i32
      %dma_wait3A_101 = tpu.memref_slice %arg9[%add3A_94, %dma_wait3A_100] : memref<100x100xi32, #tpu.memory_space<vmem>> -> memref<1x100xi32, #tpu.memory_space<vmem>>
      %dma_wait3A_102 = tpu.memref_squeeze %dma_wait3A_101 : memref<1x100xi32, #tpu.memory_space<vmem>> -> memref<100xi32, #tpu.memory_space<vmem>>
      %dma_wait3A_103 = arith.constant 0 : i32
      %dma_wait3A_104 = arith.constant 0 : i32
      %dma_wait3A_105 = tpu.memref_slice %arg2[%dma_wait3A_103, %dma_wait3A_104] : memref<10000x128xf32, #tpu.memory_space<hbm>> -> memref<10000x128xf32, #tpu.memory_space<hbm>>
      tpu.wait_indirect_dma semaphore(%arg14 : memref<!tpu.dma_semaphore, #tpu.memory_space<semaphore_mem>>) src(%dma_wait3A_105 : memref<10000x128xf32, #tpu.memory_space<hbm>>) dst(%dma_wait3A_99 : memref<100x128xf32, #tpu.memory_space<vmem>>)
      %run_scoped3A_106 = arith.constant 1 : i32
      "tpu.region"() ({
        %run_scoped3A_112 = tpu.sem_alloc : memref<!tpu.dma_semaphore, #tpu.memory_space<semaphore_mem>>
        %dma_start3A_113 = arith.constant 0 : i32
        %dma_start3A_114 = arith.constant 0 : i32
        %dma_start3A_115 = tpu.memref_slice %arg11[%run_scoped3A_106, %dma_start3A_113, %dma_start3A_114] : memref<2x100x128xf32, #tpu.memory_space<vmem>> -> memref<1x100x128xf32, #tpu.memory_space<vmem>>
        %dma_start3A_116 = tpu.memref_squeeze %dma_start3A_115 : memref<1x100x128xf32, #tpu.memory_space<vmem>> -> memref<100x128xf32, #tpu.memory_space<vmem>>
        %dma_start3A_117 = arith.constant 0 : i32
        %dma_start3A_118 = tpu.memref_slice %arg10[%add3A_94, %dma_start3A_117] : memref<100x100xi32, #tpu.memory_space<vmem>> -> memref<1x100xi32, #tpu.memory_space<vmem>>
        %dma_start3A_119 = tpu.memref_squeeze %dma_start3A_118 : memref<1x100xi32, #tpu.memory_space<vmem>> -> memref<100xi32, #tpu.memory_space<vmem>>
        %dma_start3A_120 = arith.constant 0 : i32
        %dma_start3A_121 = arith.constant 0 : i32
        %dma_start3A_122 = tpu.memref_slice %arg12[%dma_start3A_120, %dma_start3A_121] : memref<10000x128xf32, #tpu.memory_space<vmem_shared>> -> memref<10000x128xf32, #tpu.memory_space<vmem_shared>>
        tpu.enqueue_indirect_dma source(%dma_start3A_116 : memref<100x128xf32, #tpu.memory_space<vmem>>) target(%dma_start3A_122 : memref<10000x128xf32, #tpu.memory_space<vmem_shared>>) offsets(%dma_start3A_119 : memref<100xi32, #tpu.memory_space<vmem>>) semaphore(%run_scoped3A_112 : memref<!tpu.dma_semaphore, #tpu.memory_space<semaphore_mem>>) {add = true}
        %dma_wait3A_123 = arith.constant 0 : i32
        %dma_wait3A_124 = arith.constant 0 : i32
        %dma_wait3A_125 = tpu.memref_slice %arg11[%run_scoped3A_106, %dma_wait3A_123, %dma_wait3A_124] : memref<2x100x128xf32, #tpu.memory_space<vmem>> -> memref<1x100x128xf32, #tpu.memory_space<vmem>>
        %dma_wait3A_126 = tpu.memref_squeeze %dma_wait3A_125 : memref<1x100x128xf32, #tpu.memory_space<vmem>> -> memref<100x128xf32, #tpu.memory_space<vmem>>
        %dma_wait3A_127 = arith.constant 0 : i32
        %dma_wait3A_128 = tpu.memref_slice %arg10[%add3A_94, %dma_wait3A_127] : memref<100x100xi32, #tpu.memory_space<vmem>> -> memref<1x100xi32, #tpu.memory_space<vmem>>
        %dma_wait3A_129 = tpu.memref_squeeze %dma_wait3A_128 : memref<1x100xi32, #tpu.memory_space<vmem>> -> memref<100xi32, #tpu.memory_space<vmem>>
        %dma_wait3A_130 = arith.constant 0 : i32
        %dma_wait3A_131 = arith.constant 0 : i32
        %dma_wait3A_132 = tpu.memref_slice %arg12[%dma_wait3A_130, %dma_wait3A_131] : memref<10000x128xf32, #tpu.memory_space<vmem_shared>> -> memref<10000x128xf32, #tpu.memory_space<vmem_shared>>
        tpu.wait_indirect_dma semaphore(%run_scoped3A_112 : memref<!tpu.dma_semaphore, #tpu.memory_space<semaphore_mem>>) src(%dma_wait3A_126 : memref<100x128xf32, #tpu.memory_space<vmem>>) dst(%dma_wait3A_132 : memref<10000x128xf32, #tpu.memory_space<vmem_shared>>)
        tpu.yield
      }) : () -> ()
      %lt3A_107 = arith.constant 49 : i32
      %lt3A_108 = arith.cmpi slt, %scan3A_74, %lt3A_107 : i32
      %convert_element_type3A_109 = arith.extui %lt3A_108 : i1 to i32
      %cond3A_110 = arith.constant 0 : i32
      %cond3A_111 = arith.cmpi ne, %convert_element_type3A_109, %cond3A_110 : i32
      scf.if %cond3A_111 {
        %add3A_112 = arith.constant 2 : i32
        %add3A_113 = arith.addi %add3A_94, %add3A_112 : i32
        %dma_start3A_114 = arith.constant 1 : i32
        %dma_start3A_115 = arith.constant 0 : i32
        %dma_start3A_116 = arith.constant 0 : i32
        %dma_start3A_117 = tpu.memref_slice %arg11[%dma_start3A_114, %dma_start3A_115, %dma_start3A_116] : memref<2x100x128xf32, #tpu.memory_space<vmem>> -> memref<1x100x128xf32, #tpu.memory_space<vmem>>
        %dma_start3A_118 = tpu.memref_squeeze %dma_start3A_117 : memref<1x100x128xf32, #tpu.memory_space<vmem>> -> memref<100x128xf32, #tpu.memory_space<vmem>>
        %dma_start3A_119 = arith.constant 0 : i32
        %dma_start3A_120 = tpu.memref_slice %arg9[%add3A_113, %dma_start3A_119] : memref<100x100xi32, #tpu.memory_space<vmem>> -> memref<1x100xi32, #tpu.memory_space<vmem>>
        %dma_start3A_121 = tpu.memref_squeeze %dma_start3A_120 : memref<1x100xi32, #tpu.memory_space<vmem>> -> memref<100xi32, #tpu.memory_space<vmem>>
        %dma_start3A_122 = arith.constant 0 : i32
        %dma_start3A_123 = arith.constant 0 : i32
        %dma_start3A_124 = tpu.memref_slice %arg2[%dma_start3A_122, %dma_start3A_123] : memref<10000x128xf32, #tpu.memory_space<hbm>> -> memref<10000x128xf32, #tpu.memory_space<hbm>>
        tpu.enqueue_indirect_dma source(%dma_start3A_124 : memref<10000x128xf32, #tpu.memory_space<hbm>>) target(%dma_start3A_118 : memref<100x128xf32, #tpu.memory_space<vmem>>) offsets(%dma_start3A_121 : memref<100xi32, #tpu.memory_space<vmem>>) semaphore(%arg14 : memref<!tpu.dma_semaphore, #tpu.memory_space<semaphore_mem>>)
      } else {
      }
    }
    %scan3A_30 = arith.constant 50 : i32
    %barrier3A_31 = arith.constant 0 : index
    tpu.barrier barrier_id(%barrier3A_31)
    %mul3A_32 = arith.constant 625 : i32
    %mul3A_33 = arith.muli %arg1, %mul3A_32 : i32
    %mul3A_34 = arith.constant 625 : i32
    %mul3A_35 = arith.muli %arg1, %mul3A_34 : i32
    "tpu.region"() ({
      %run_scoped3A = tpu.sem_alloc : memref<!tpu.dma_semaphore, #tpu.memory_space<semaphore_mem>>
      %dma_start3A_74 = arith.constant 0 : i32
      %dma_start3A_75 = tpu.memref_slice %arg7[%arg0, %mul3A_35, %dma_start3A_74] : memref<2x10000x128xf32, #tpu.memory_space<hbm>> -> memref<1x625x128xf32, #tpu.memory_space<hbm>>
      %dma_start3A_76 = tpu.memref_squeeze %dma_start3A_75 : memref<1x625x128xf32, #tpu.memory_space<hbm>> -> memref<625x128xf32, #tpu.memory_space<hbm>>
      %dma_start3A_77 = arith.constant 0 : i32
      %dma_start3A_78 = tpu.memref_slice %arg12[%mul3A_33, %dma_start3A_77] : memref<10000x128xf32, #tpu.memory_space<vmem_shared>> -> memref<625x128xf32, #tpu.memory_space<vmem_shared>>
      tpu.enqueue_dma source(%dma_start3A_78 : memref<625x128xf32, #tpu.memory_space<vmem_shared>>) target(%dma_start3A_76 : memref<625x128xf32, #tpu.memory_space<hbm>>) target_semaphore(%run_scoped3A : memref<!tpu.dma_semaphore, #tpu.memory_space<semaphore_mem>>)
      %dma_wait3A = arith.constant 0 : i32
      %dma_wait3A_79 = tpu.memref_slice %arg7[%arg0, %mul3A_35, %dma_wait3A] : memref<2x10000x128xf32, #tpu.memory_space<hbm>> -> memref<1x625x128xf32, #tpu.memory_space<hbm>>
      %dma_wait3A_80 = tpu.memref_squeeze %dma_wait3A_79 : memref<1x625x128xf32, #tpu.memory_space<hbm>> -> memref<625x128xf32, #tpu.memory_space<hbm>>
      %dma_wait3A_81 = arith.constant 0 : i32
      %dma_wait3A_82 = tpu.memref_slice %arg12[%mul3A_33, %dma_wait3A_81] : memref<10000x128xf32, #tpu.memory_space<vmem_shared>> -> memref<625x128xf32, #tpu.memory_space<vmem_shared>>
      tpu.wait_dma2 semaphore(%run_scoped3A : memref<!tpu.dma_semaphore, #tpu.memory_space<semaphore_mem>>) src(%dma_wait3A_82 : memref<625x128xf32, #tpu.memory_space<vmem_shared>>) dst(%dma_wait3A_80 : memref<625x128xf32, #tpu.memory_space<hbm>>)
      tpu.yield
    }) : () -> ()
    %mul3A_36 = arith.constant 625 : i32
    %mul3A_37 = arith.muli %arg1, %mul3A_36 : i32
    "tpu.region"() ({
      %run_scoped3A = tpu.sem_alloc : memref<!tpu.dma_semaphore, #tpu.memory_space<semaphore_mem>>
      %dma_start3A_74 = arith.constant 0 : i32
      %dma_start3A_75 = tpu.memref_slice %arg12[%mul3A_37, %dma_start3A_74] : memref<10000x128xf32, #tpu.memory_space<vmem_shared>> -> memref<625x128xf32, #tpu.memory_space<vmem_shared>>
      tpu.enqueue_dma source(%arg6 : memref<625x128xf32, #tpu.memory_space<hbm>>) target(%dma_start3A_75 : memref<625x128xf32, #tpu.memory_space<vmem_shared>>) target_semaphore(%run_scoped3A : memref<!tpu.dma_semaphore, #tpu.memory_space<semaphore_mem>>)
      %dma_wait3A = arith.constant 0 : i32
      %dma_wait3A_76 = tpu.memref_slice %arg12[%mul3A_37, %dma_wait3A] : memref<10000x128xf32, #tpu.memory_space<vmem_shared>> -> memref<625x128xf32, #tpu.memory_space<vmem_shared>>
      tpu.wait_dma2 semaphore(%run_scoped3A : memref<!tpu.dma_semaphore, #tpu.memory_space<semaphore_mem>>) src(%arg6 : memref<625x128xf32, #tpu.memory_space<hbm>>) dst(%dma_wait3A_76 : memref<625x128xf32, #tpu.memory_space<vmem_shared>>)
      tpu.yield
    }) : () -> ()
    %barrier3A_38 = arith.constant 0 : index
    tpu.barrier barrier_id(%barrier3A_38)
    %dma_start3A_39 = arith.constant 0 : i32
    %dma_start3A_40 = arith.constant 0 : i32
    %dma_start3A_41 = arith.constant 0 : i32
    %dma_start3A_42 = arith.constant 0 : i32
    %dma_start3A_43 = tpu.memref_slice %arg11[%dma_start3A_40, %dma_start3A_41, %dma_start3A_42] : memref<2x100x128xf32, #tpu.memory_space<vmem>> -> memref<1x100x128xf32, #tpu.memory_space<vmem>>
    %dma_start3A_44 = tpu.memref_squeeze %dma_start3A_43 : memref<1x100x128xf32, #tpu.memory_space<vmem>> -> memref<100x128xf32, #tpu.memory_space<vmem>>
    %dma_start3A_45 = arith.constant 0 : i32
    %dma_start3A_46 = tpu.memref_slice %arg9[%dma_start3A_39, %dma_start3A_45] : memref<100x100xi32, #tpu.memory_space<vmem>> -> memref<1x100xi32, #tpu.memory_space<vmem>>
    %dma_start3A_47 = tpu.memref_squeeze %dma_start3A_46 : memref<1x100xi32, #tpu.memory_space<vmem>> -> memref<100xi32, #tpu.memory_space<vmem>>
    %dma_start3A_48 = arith.constant 0 : i32
    %dma_start3A_49 = arith.constant 0 : i32
    %dma_start3A_50 = tpu.memref_slice %arg3[%dma_start3A_48, %dma_start3A_49] : memref<10000x128xf32, #tpu.memory_space<hbm>> -> memref<10000x128xf32, #tpu.memory_space<hbm>>
    tpu.enqueue_indirect_dma source(%dma_start3A_50 : memref<10000x128xf32, #tpu.memory_space<hbm>>) target(%dma_start3A_44 : memref<100x128xf32, #tpu.memory_space<vmem>>) offsets(%dma_start3A_47 : memref<100xi32, #tpu.memory_space<vmem>>) semaphore(%arg13 : memref<!tpu.dma_semaphore, #tpu.memory_space<semaphore_mem>>)
    %dma_start3A_51 = arith.constant 1 : i32
    %dma_start3A_52 = arith.constant 1 : i32
    %dma_start3A_53 = arith.constant 0 : i32
    %dma_start3A_54 = arith.constant 0 : i32
    %dma_start3A_55 = tpu.memref_slice %arg11[%dma_start3A_52, %dma_start3A_53, %dma_start3A_54] : memref<2x100x128xf32, #tpu.memory_space<vmem>> -> memref<1x100x128xf32, #tpu.memory_space<vmem>>
    %dma_start3A_56 = tpu.memref_squeeze %dma_start3A_55 : memref<1x100x128xf32, #tpu.memory_space<vmem>> -> memref<100x128xf32, #tpu.memory_space<vmem>>
    %dma_start3A_57 = arith.constant 0 : i32
    %dma_start3A_58 = tpu.memref_slice %arg9[%dma_start3A_51, %dma_start3A_57] : memref<100x100xi32, #tpu.memory_space<vmem>> -> memref<1x100xi32, #tpu.memory_space<vmem>>
    %dma_start3A_59 = tpu.memref_squeeze %dma_start3A_58 : memref<1x100xi32, #tpu.memory_space<vmem>> -> memref<100xi32, #tpu.memory_space<vmem>>
    %dma_start3A_60 = arith.constant 0 : i32
    %dma_start3A_61 = arith.constant 0 : i32
    %dma_start3A_62 = tpu.memref_slice %arg3[%dma_start3A_60, %dma_start3A_61] : memref<10000x128xf32, #tpu.memory_space<hbm>> -> memref<10000x128xf32, #tpu.memory_space<hbm>>
    tpu.enqueue_indirect_dma source(%dma_start3A_62 : memref<10000x128xf32, #tpu.memory_space<hbm>>) target(%dma_start3A_56 : memref<100x128xf32, #tpu.memory_space<vmem>>) offsets(%dma_start3A_59 : memref<100xi32, #tpu.memory_space<vmem>>) semaphore(%arg14 : memref<!tpu.dma_semaphore, #tpu.memory_space<semaphore_mem>>)
    %scan3A_63 = arith.constant 0 : i32
    %scan3A_64 = arith.constant 0 : i32
    %scan3A_65 = arith.constant 50 : i32
    %scan3A_66 = arith.addi %scan3A_64, %scan3A_65 : i32
    %scan3A_67 = arith.constant 1 : i32
    scf.for %scan3A_74 = %scan3A_64 to %scan3A_66 step %scan3A_67  : i32 {
      %mul3A_75 = arith.constant 2 : i32
      %mul3A_76 = arith.muli %scan3A_74, %mul3A_75 : i32
      %add3A_77 = arith.constant 0 : i32
      %add3A_78 = arith.addi %mul3A_76, %add3A_77 : i32
      %dma_wait3A = arith.constant 0 : i32
      %dma_wait3A_79 = arith.constant 0 : i32
      %dma_wait3A_80 = arith.constant 0 : i32
      %dma_wait3A_81 = tpu.memref_slice %arg11[%dma_wait3A, %dma_wait3A_79, %dma_wait3A_80] : memref<2x100x128xf32, #tpu.memory_space<vmem>> -> memref<1x100x128xf32, #tpu.memory_space<vmem>>
      %dma_wait3A_82 = tpu.memref_squeeze %dma_wait3A_81 : memref<1x100x128xf32, #tpu.memory_space<vmem>> -> memref<100x128xf32, #tpu.memory_space<vmem>>
      %dma_wait3A_83 = arith.constant 0 : i32
      %dma_wait3A_84 = tpu.memref_slice %arg9[%add3A_78, %dma_wait3A_83] : memref<100x100xi32, #tpu.memory_space<vmem>> -> memref<1x100xi32, #tpu.memory_space<vmem>>
      %dma_wait3A_85 = tpu.memref_squeeze %dma_wait3A_84 : memref<1x100xi32, #tpu.memory_space<vmem>> -> memref<100xi32, #tpu.memory_space<vmem>>
      %dma_wait3A_86 = arith.constant 0 : i32
      %dma_wait3A_87 = arith.constant 0 : i32
      %dma_wait3A_88 = tpu.memref_slice %arg3[%dma_wait3A_86, %dma_wait3A_87] : memref<10000x128xf32, #tpu.memory_space<hbm>> -> memref<10000x128xf32, #tpu.memory_space<hbm>>
      tpu.wait_indirect_dma semaphore(%arg13 : memref<!tpu.dma_semaphore, #tpu.memory_space<semaphore_mem>>) src(%dma_wait3A_88 : memref<10000x128xf32, #tpu.memory_space<hbm>>) dst(%dma_wait3A_82 : memref<100x128xf32, #tpu.memory_space<vmem>>)
      %run_scoped3A = arith.constant 0 : i32
      "tpu.region"() ({
        %run_scoped3A_112 = tpu.sem_alloc : memref<!tpu.dma_semaphore, #tpu.memory_space<semaphore_mem>>
        %dma_start3A_113 = arith.constant 0 : i32
        %dma_start3A_114 = arith.constant 0 : i32
        %dma_start3A_115 = tpu.memref_slice %arg11[%run_scoped3A, %dma_start3A_113, %dma_start3A_114] : memref<2x100x128xf32, #tpu.memory_space<vmem>> -> memref<1x100x128xf32, #tpu.memory_space<vmem>>
        %dma_start3A_116 = tpu.memref_squeeze %dma_start3A_115 : memref<1x100x128xf32, #tpu.memory_space<vmem>> -> memref<100x128xf32, #tpu.memory_space<vmem>>
        %dma_start3A_117 = arith.constant 0 : i32
        %dma_start3A_118 = tpu.memref_slice %arg10[%add3A_78, %dma_start3A_117] : memref<100x100xi32, #tpu.memory_space<vmem>> -> memref<1x100xi32, #tpu.memory_space<vmem>>
        %dma_start3A_119 = tpu.memref_squeeze %dma_start3A_118 : memref<1x100xi32, #tpu.memory_space<vmem>> -> memref<100xi32, #tpu.memory_space<vmem>>
        %dma_start3A_120 = arith.constant 0 : i32
        %dma_start3A_121 = arith.constant 0 : i32
        %dma_start3A_122 = tpu.memref_slice %arg12[%dma_start3A_120, %dma_start3A_121] : memref<10000x128xf32, #tpu.memory_space<vmem_shared>> -> memref<10000x128xf32, #tpu.memory_space<vmem_shared>>
        tpu.enqueue_indirect_dma source(%dma_start3A_116 : memref<100x128xf32, #tpu.memory_space<vmem>>) target(%dma_start3A_122 : memref<10000x128xf32, #tpu.memory_space<vmem_shared>>) offsets(%dma_start3A_119 : memref<100xi32, #tpu.memory_space<vmem>>) semaphore(%run_scoped3A_112 : memref<!tpu.dma_semaphore, #tpu.memory_space<semaphore_mem>>) {add = true}
        %dma_wait3A_123 = arith.constant 0 : i32
        %dma_wait3A_124 = arith.constant 0 : i32
        %dma_wait3A_125 = tpu.memref_slice %arg11[%run_scoped3A, %dma_wait3A_123, %dma_wait3A_124] : memref<2x100x128xf32, #tpu.memory_space<vmem>> -> memref<1x100x128xf32, #tpu.memory_space<vmem>>
        %dma_wait3A_126 = tpu.memref_squeeze %dma_wait3A_125 : memref<1x100x128xf32, #tpu.memory_space<vmem>> -> memref<100x128xf32, #tpu.memory_space<vmem>>
        %dma_wait3A_127 = arith.constant 0 : i32
        %dma_wait3A_128 = tpu.memref_slice %arg10[%add3A_78, %dma_wait3A_127] : memref<100x100xi32, #tpu.memory_space<vmem>> -> memref<1x100xi32, #tpu.memory_space<vmem>>
        %dma_wait3A_129 = tpu.memref_squeeze %dma_wait3A_128 : memref<1x100xi32, #tpu.memory_space<vmem>> -> memref<100xi32, #tpu.memory_space<vmem>>
        %dma_wait3A_130 = arith.constant 0 : i32
        %dma_wait3A_131 = arith.constant 0 : i32
        %dma_wait3A_132 = tpu.memref_slice %arg12[%dma_wait3A_130, %dma_wait3A_131] : memref<10000x128xf32, #tpu.memory_space<vmem_shared>> -> memref<10000x128xf32, #tpu.memory_space<vmem_shared>>
        tpu.wait_indirect_dma semaphore(%run_scoped3A_112 : memref<!tpu.dma_semaphore, #tpu.memory_space<semaphore_mem>>) src(%dma_wait3A_126 : memref<100x128xf32, #tpu.memory_space<vmem>>) dst(%dma_wait3A_132 : memref<10000x128xf32, #tpu.memory_space<vmem_shared>>)
        tpu.yield
      }) : () -> ()
      %lt3A = arith.constant 49 : i32
      %lt3A_89 = arith.cmpi slt, %scan3A_74, %lt3A : i32
      %convert_element_type3A = arith.extui %lt3A_89 : i1 to i32
      %cond3A = arith.constant 0 : i32
      %cond3A_90 = arith.cmpi ne, %convert_element_type3A, %cond3A : i32
      scf.if %cond3A_90 {
        %add3A_112 = arith.constant 2 : i32
        %add3A_113 = arith.addi %add3A_78, %add3A_112 : i32
        %dma_start3A_114 = arith.constant 0 : i32
        %dma_start3A_115 = arith.constant 0 : i32
        %dma_start3A_116 = arith.constant 0 : i32
        %dma_start3A_117 = tpu.memref_slice %arg11[%dma_start3A_114, %dma_start3A_115, %dma_start3A_116] : memref<2x100x128xf32, #tpu.memory_space<vmem>> -> memref<1x100x128xf32, #tpu.memory_space<vmem>>
        %dma_start3A_118 = tpu.memref_squeeze %dma_start3A_117 : memref<1x100x128xf32, #tpu.memory_space<vmem>> -> memref<100x128xf32, #tpu.memory_space<vmem>>
        %dma_start3A_119 = arith.constant 0 : i32
        %dma_start3A_120 = tpu.memref_slice %arg9[%add3A_113, %dma_start3A_119] : memref<100x100xi32, #tpu.memory_space<vmem>> -> memref<1x100xi32, #tpu.memory_space<vmem>>
        %dma_start3A_121 = tpu.memref_squeeze %dma_start3A_120 : memref<1x100xi32, #tpu.memory_space<vmem>> -> memref<100xi32, #tpu.memory_space<vmem>>
        %dma_start3A_122 = arith.constant 0 : i32
        %dma_start3A_123 = arith.constant 0 : i32
        %dma_start3A_124 = tpu.memref_slice %arg3[%dma_start3A_122, %dma_start3A_123] : memref<10000x128xf32, #tpu.memory_space<hbm>> -> memref<10000x128xf32, #tpu.memory_space<hbm>>
        tpu.enqueue_indirect_dma source(%dma_start3A_124 : memref<10000x128xf32, #tpu.memory_space<hbm>>) target(%dma_start3A_118 : memref<100x128xf32, #tpu.memory_space<vmem>>) offsets(%dma_start3A_121 : memref<100xi32, #tpu.memory_space<vmem>>) semaphore(%arg13 : memref<!tpu.dma_semaphore, #tpu.memory_space<semaphore_mem>>)
      } else {
      }
      %mul3A_91 = arith.constant 2 : i32
      %mul3A_92 = arith.muli %scan3A_74, %mul3A_91 : i32
      %add3A_93 = arith.constant 1 : i32
      %add3A_94 = arith.addi %mul3A_92, %add3A_93 : i32
      %dma_wait3A_95 = arith.constant 1 : i32
      %dma_wait3A_96 = arith.constant 0 : i32
      %dma_wait3A_97 = arith.constant 0 : i32
      %dma_wait3A_98 = tpu.memref_slice %arg11[%dma_wait3A_95, %dma_wait3A_96, %dma_wait3A_97] : memref<2x100x128xf32, #tpu.memory_space<vmem>> -> memref<1x100x128xf32, #tpu.memory_space<vmem>>
      %dma_wait3A_99 = tpu.memref_squeeze %dma_wait3A_98 : memref<1x100x128xf32, #tpu.memory_space<vmem>> -> memref<100x128xf32, #tpu.memory_space<vmem>>
      %dma_wait3A_100 = arith.constant 0 : i32
      %dma_wait3A_101 = tpu.memref_slice %arg9[%add3A_94, %dma_wait3A_100] : memref<100x100xi32, #tpu.memory_space<vmem>> -> memref<1x100xi32, #tpu.memory_space<vmem>>
      %dma_wait3A_102 = tpu.memref_squeeze %dma_wait3A_101 : memref<1x100xi32, #tpu.memory_space<vmem>> -> memref<100xi32, #tpu.memory_space<vmem>>
      %dma_wait3A_103 = arith.constant 0 : i32
      %dma_wait3A_104 = arith.constant 0 : i32
      %dma_wait3A_105 = tpu.memref_slice %arg3[%dma_wait3A_103, %dma_wait3A_104] : memref<10000x128xf32, #tpu.memory_space<hbm>> -> memref<10000x128xf32, #tpu.memory_space<hbm>>
      tpu.wait_indirect_dma semaphore(%arg14 : memref<!tpu.dma_semaphore, #tpu.memory_space<semaphore_mem>>) src(%dma_wait3A_105 : memref<10000x128xf32, #tpu.memory_space<hbm>>) dst(%dma_wait3A_99 : memref<100x128xf32, #tpu.memory_space<vmem>>)
      %run_scoped3A_106 = arith.constant 1 : i32
      "tpu.region"() ({
        %run_scoped3A_112 = tpu.sem_alloc : memref<!tpu.dma_semaphore, #tpu.memory_space<semaphore_mem>>
        %dma_start3A_113 = arith.constant 0 : i32
        %dma_start3A_114 = arith.constant 0 : i32
        %dma_start3A_115 = tpu.memref_slice %arg11[%run_scoped3A_106, %dma_start3A_113, %dma_start3A_114] : memref<2x100x128xf32, #tpu.memory_space<vmem>> -> memref<1x100x128xf32, #tpu.memory_space<vmem>>
        %dma_start3A_116 = tpu.memref_squeeze %dma_start3A_115 : memref<1x100x128xf32, #tpu.memory_space<vmem>> -> memref<100x128xf32, #tpu.memory_space<vmem>>
        %dma_start3A_117 = arith.constant 0 : i32
        %dma_start3A_118 = tpu.memref_slice %arg10[%add3A_94, %dma_start3A_117] : memref<100x100xi32, #tpu.memory_space<vmem>> -> memref<1x100xi32, #tpu.memory_space<vmem>>
        %dma_start3A_119 = tpu.memref_squeeze %dma_start3A_118 : memref<1x100xi32, #tpu.memory_space<vmem>> -> memref<100xi32, #tpu.memory_space<vmem>>
        %dma_start3A_120 = arith.constant 0 : i32
        %dma_start3A_121 = arith.constant 0 : i32
        %dma_start3A_122 = tpu.memref_slice %arg12[%dma_start3A_120, %dma_start3A_121] : memref<10000x128xf32, #tpu.memory_space<vmem_shared>> -> memref<10000x128xf32, #tpu.memory_space<vmem_shared>>
        tpu.enqueue_indirect_dma source(%dma_start3A_116 : memref<100x128xf32, #tpu.memory_space<vmem>>) target(%dma_start3A_122 : memref<10000x128xf32, #tpu.memory_space<vmem_shared>>) offsets(%dma_start3A_119 : memref<100xi32, #tpu.memory_space<vmem>>) semaphore(%run_scoped3A_112 : memref<!tpu.dma_semaphore, #tpu.memory_space<semaphore_mem>>) {add = true}
        %dma_wait3A_123 = arith.constant 0 : i32
        %dma_wait3A_124 = arith.constant 0 : i32
        %dma_wait3A_125 = tpu.memref_slice %arg11[%run_scoped3A_106, %dma_wait3A_123, %dma_wait3A_124] : memref<2x100x128xf32, #tpu.memory_space<vmem>> -> memref<1x100x128xf32, #tpu.memory_space<vmem>>
        %dma_wait3A_126 = tpu.memref_squeeze %dma_wait3A_125 : memref<1x100x128xf32, #tpu.memory_space<vmem>> -> memref<100x128xf32, #tpu.memory_space<vmem>>
        %dma_wait3A_127 = arith.constant 0 : i32
        %dma_wait3A_128 = tpu.memref_slice %arg10[%add3A_94, %dma_wait3A_127] : memref<100x100xi32, #tpu.memory_space<vmem>> -> memref<1x100xi32, #tpu.memory_space<vmem>>
        %dma_wait3A_129 = tpu.memref_squeeze %dma_wait3A_128 : memref<1x100xi32, #tpu.memory_space<vmem>> -> memref<100xi32, #tpu.memory_space<vmem>>
        %dma_wait3A_130 = arith.constant 0 : i32
        %dma_wait3A_131 = arith.constant 0 : i32
        %dma_wait3A_132 = tpu.memref_slice %arg12[%dma_wait3A_130, %dma_wait3A_131] : memref<10000x128xf32, #tpu.memory_space<vmem_shared>> -> memref<10000x128xf32, #tpu.memory_space<vmem_shared>>
        tpu.wait_indirect_dma semaphore(%run_scoped3A_112 : memref<!tpu.dma_semaphore, #tpu.memory_space<semaphore_mem>>) src(%dma_wait3A_126 : memref<100x128xf32, #tpu.memory_space<vmem>>) dst(%dma_wait3A_132 : memref<10000x128xf32, #tpu.memory_space<vmem_shared>>)
        tpu.yield
      }) : () -> ()
      %lt3A_107 = arith.constant 49 : i32
      %lt3A_108 = arith.cmpi slt, %scan3A_74, %lt3A_107 : i32
      %convert_element_type3A_109 = arith.extui %lt3A_108 : i1 to i32
      %cond3A_110 = arith.constant 0 : i32
      %cond3A_111 = arith.cmpi ne, %convert_element_type3A_109, %cond3A_110 : i32
      scf.if %cond3A_111 {
        %add3A_112 = arith.constant 2 : i32
        %add3A_113 = arith.addi %add3A_94, %add3A_112 : i32
        %dma_start3A_114 = arith.constant 1 : i32
        %dma_start3A_115 = arith.constant 0 : i32
        %dma_start3A_116 = arith.constant 0 : i32
        %dma_start3A_117 = tpu.memref_slice %arg11[%dma_start3A_114, %dma_start3A_115, %dma_start3A_116] : memref<2x100x128xf32, #tpu.memory_space<vmem>> -> memref<1x100x128xf32, #tpu.memory_space<vmem>>
        %dma_start3A_118 = tpu.memref_squeeze %dma_start3A_117 : memref<1x100x128xf32, #tpu.memory_space<vmem>> -> memref<100x128xf32, #tpu.memory_space<vmem>>
        %dma_start3A_119 = arith.constant 0 : i32
        %dma_start3A_120 = tpu.memref_slice %arg9[%add3A_113, %dma_start3A_119] : memref<100x100xi32, #tpu.memory_space<vmem>> -> memref<1x100xi32, #tpu.memory_space<vmem>>
        %dma_start3A_121 = tpu.memref_squeeze %dma_start3A_120 : memref<1x100xi32, #tpu.memory_space<vmem>> -> memref<100xi32, #tpu.memory_space<vmem>>
        %dma_start3A_122 = arith.constant 0 : i32
        %dma_start3A_123 = arith.constant 0 : i32
        %dma_start3A_124 = tpu.memref_slice %arg3[%dma_start3A_122, %dma_start3A_123] : memref<10000x128xf32, #tpu.memory_space<hbm>> -> memref<10000x128xf32, #tpu.memory_space<hbm>>
        tpu.enqueue_indirect_dma source(%dma_start3A_124 : memref<10000x128xf32, #tpu.memory_space<hbm>>) target(%dma_start3A_118 : memref<100x128xf32, #tpu.memory_space<vmem>>) offsets(%dma_start3A_121 : memref<100xi32, #tpu.memory_space<vmem>>) semaphore(%arg14 : memref<!tpu.dma_semaphore, #tpu.memory_space<semaphore_mem>>)
      } else {
      }
    }
    %scan3A_68 = arith.constant 50 : i32
    %barrier3A_69 = arith.constant 0 : index
    tpu.barrier barrier_id(%barrier3A_69)
    %mul3A_70 = arith.constant 625 : i32
    %mul3A_71 = arith.muli %arg1, %mul3A_70 : i32
    %mul3A_72 = arith.constant 625 : i32
    %mul3A_73 = arith.muli %arg1, %mul3A_72 : i32
    "tpu.region"() ({
      %run_scoped3A = tpu.sem_alloc : memref<!tpu.dma_semaphore, #tpu.memory_space<semaphore_mem>>
      %dma_start3A_74 = arith.constant 0 : i32
      %dma_start3A_75 = tpu.memref_slice %arg8[%arg0, %mul3A_73, %dma_start3A_74] : memref<2x10000x128xf32, #tpu.memory_space<hbm>> -> memref<1x625x128xf32, #tpu.memory_space<hbm>>
      %dma_start3A_76 = tpu.memref_squeeze %dma_start3A_75 : memref<1x625x128xf32, #tpu.memory_space<hbm>> -> memref<625x128xf32, #tpu.memory_space<hbm>>
      %dma_start3A_77 = arith.constant 0 : i32
      %dma_start3A_78 = tpu.memref_slice %arg12[%mul3A_71, %dma_start3A_77] : memref<10000x128xf32, #tpu.memory_space<vmem_shared>> -> memref<625x128xf32, #tpu.memory_space<vmem_shared>>
      tpu.enqueue_dma source(%dma_start3A_78 : memref<625x128xf32, #tpu.memory_space<vmem_shared>>) target(%dma_start3A_76 : memref<625x128xf32, #tpu.memory_space<hbm>>) target_semaphore(%run_scoped3A : memref<!tpu.dma_semaphore, #tpu.memory_space<semaphore_mem>>)
      %dma_wait3A = arith.constant 0 : i32
      %dma_wait3A_79 = tpu.memref_slice %arg8[%arg0, %mul3A_73, %dma_wait3A] : memref<2x10000x128xf32, #tpu.memory_space<hbm>> -> memref<1x625x128xf32, #tpu.memory_space<hbm>>
      %dma_wait3A_80 = tpu.memref_squeeze %dma_wait3A_79 : memref<1x625x128xf32, #tpu.memory_space<hbm>> -> memref<625x128xf32, #tpu.memory_space<hbm>>
      %dma_wait3A_81 = arith.constant 0 : i32
      %dma_wait3A_82 = tpu.memref_slice %arg12[%mul3A_71, %dma_wait3A_81] : memref<10000x128xf32, #tpu.memory_space<vmem_shared>> -> memref<625x128xf32, #tpu.memory_space<vmem_shared>>
      tpu.wait_dma2 semaphore(%run_scoped3A : memref<!tpu.dma_semaphore, #tpu.memory_space<semaphore_mem>>) src(%dma_wait3A_82 : memref<625x128xf32, #tpu.memory_space<vmem_shared>>) dst(%dma_wait3A_80 : memref<625x128xf32, #tpu.memory_space<hbm>>)
      tpu.yield
    }) : () -> ()
    return
  }
}

#map = affine_map<(d0, d1) -> (0, 0)>
#map1 = affine_map<(d0, d1) -> (0, 0, 0)>
#map2 = affine_map<(d0, d1) -> (0)>
module attributes {stable_mosaic.version = 14 : i64} {
  func.func @body(%arg0: i32, %arg1: i32, %arg2: memref<10000x64xf32, #tpu.memory_space<hbm>>, %arg3: memref<32x125x80xi32, #tpu.memory_space<hbm>>, %arg4: memref<32x125x80xi32, #tpu.memory_space<hbm>>, %arg5: memref<625x64xf32, #tpu.memory_space<hbm>>, %arg6: memref<10000xf32, #tpu.memory_space<hbm>>, %arg7: memref<80xf32, #tpu.memory_space<hbm>>, %arg8: memref<2x10000x64xf32, #tpu.memory_space<hbm>>, %arg9: memref<2x10000xf32, #tpu.memory_space<hbm>>, %arg10: memref<125x80xi32, #tpu.memory_space<vmem>>, %arg11: memref<125x80xi32, #tpu.memory_space<vmem>>, %arg12: memref<5x80x64xf32, #tpu.memory_space<vmem>>, %arg13: memref<10000x64xf32, #tpu.memory_space<vmem_shared>>, %arg14: memref<10000xf32, #tpu.memory_space<vmem_shared>>, %arg15: memref<80xf32, #tpu.memory_space<vmem>>, %arg16: memref<!tpu.dma_semaphore, #tpu.memory_space<semaphore_mem>>, %arg17: memref<!tpu.dma_semaphore, #tpu.memory_space<semaphore_mem>>, %arg18: memref<!tpu.dma_semaphore, #tpu.memory_space<semaphore_mem>>, %arg19: memref<!tpu.dma_semaphore, #tpu.memory_space<semaphore_mem>>, %arg20: memref<!tpu.dma_semaphore, #tpu.memory_space<semaphore_mem>>) attributes {dimension_semantics = [#tpu.dimension_semantics<core_parallel>, #tpu.dimension_semantics<subcore_parallel>], iteration_bounds = array<i64: 2, 16>, scalar_prefetch = 0 : i64, scratch_operands = 11 : i64, tpu.core_type = #tpu.core_type<sc_vector_subcore>, window_params = [{transform_indices = #map}, {transform_indices = #map1}, {transform_indices = #map1}, {transform_indices = #map}, {transform_indices = #map2}, {transform_indices = #map2}, {transform_indices = #map1}, {transform_indices = #map}]} {
    %mul3A = arith.constant 16 : i32
    %mul3A_0 = arith.muli %arg0, %mul3A : i32
    %add3A = arith.addi %mul3A_0, %arg1 : i32
    "tpu.region"() ({
      %run_scoped3A = tpu.sem_alloc : memref<!tpu.dma_semaphore, #tpu.memory_space<semaphore_mem>>
      %dma_start3A_79 = arith.constant 0 : i32
      %dma_start3A_80 = arith.constant 0 : i32
      %dma_start3A_81 = tpu.memref_slice %arg3[%add3A, %dma_start3A_79, %dma_start3A_80] : memref<32x125x80xi32, #tpu.memory_space<hbm>> -> memref<1x125x80xi32, #tpu.memory_space<hbm>>
      %dma_start3A_82 = tpu.memref_squeeze %dma_start3A_81 : memref<1x125x80xi32, #tpu.memory_space<hbm>> -> memref<125x80xi32, #tpu.memory_space<hbm>>
      %dma_start3A_83 = arith.constant 0 : i32
      %dma_start3A_84 = arith.constant 0 : i32
      %dma_start3A_85 = tpu.memref_slice %arg3[%add3A, %dma_start3A_83, %dma_start3A_84] : memref<32x125x80xi32, #tpu.memory_space<hbm>> -> memref<1x125x80xi32, #tpu.memory_space<hbm>>
      %dma_start3A_86 = tpu.memref_squeeze %dma_start3A_85 : memref<1x125x80xi32, #tpu.memory_space<hbm>> -> memref<125x80xi32, #tpu.memory_space<hbm>>
      tpu.enqueue_dma source(%dma_start3A_86 : memref<125x80xi32, #tpu.memory_space<hbm>>) target(%arg10 : memref<125x80xi32, #tpu.memory_space<vmem>>) target_semaphore(%run_scoped3A : memref<!tpu.dma_semaphore, #tpu.memory_space<semaphore_mem>>)
      %dma_wait3A = arith.constant 0 : i32
      %dma_wait3A_87 = arith.constant 0 : i32
      %dma_wait3A_88 = tpu.memref_slice %arg3[%add3A, %dma_wait3A, %dma_wait3A_87] : memref<32x125x80xi32, #tpu.memory_space<hbm>> -> memref<1x125x80xi32, #tpu.memory_space<hbm>>
      %dma_wait3A_89 = tpu.memref_squeeze %dma_wait3A_88 : memref<1x125x80xi32, #tpu.memory_space<hbm>> -> memref<125x80xi32, #tpu.memory_space<hbm>>
      %dma_wait3A_90 = arith.constant 0 : i32
      %dma_wait3A_91 = arith.constant 0 : i32
      %dma_wait3A_92 = tpu.memref_slice %arg3[%add3A, %dma_wait3A_90, %dma_wait3A_91] : memref<32x125x80xi32, #tpu.memory_space<hbm>> -> memref<1x125x80xi32, #tpu.memory_space<hbm>>
      %dma_wait3A_93 = tpu.memref_squeeze %dma_wait3A_92 : memref<1x125x80xi32, #tpu.memory_space<hbm>> -> memref<125x80xi32, #tpu.memory_space<hbm>>
      tpu.wait_dma2 semaphore(%run_scoped3A : memref<!tpu.dma_semaphore, #tpu.memory_space<semaphore_mem>>) src(%dma_wait3A_93 : memref<125x80xi32, #tpu.memory_space<hbm>>) dst(%arg10 : memref<125x80xi32, #tpu.memory_space<vmem>>)
      tpu.yield
    }) : () -> ()
    "tpu.region"() ({
      %run_scoped3A = tpu.sem_alloc : memref<!tpu.dma_semaphore, #tpu.memory_space<semaphore_mem>>
      %dma_start3A_79 = arith.constant 0 : i32
      %dma_start3A_80 = arith.constant 0 : i32
      %dma_start3A_81 = tpu.memref_slice %arg4[%add3A, %dma_start3A_79, %dma_start3A_80] : memref<32x125x80xi32, #tpu.memory_space<hbm>> -> memref<1x125x80xi32, #tpu.memory_space<hbm>>
      %dma_start3A_82 = tpu.memref_squeeze %dma_start3A_81 : memref<1x125x80xi32, #tpu.memory_space<hbm>> -> memref<125x80xi32, #tpu.memory_space<hbm>>
      %dma_start3A_83 = arith.constant 0 : i32
      %dma_start3A_84 = arith.constant 0 : i32
      %dma_start3A_85 = tpu.memref_slice %arg4[%add3A, %dma_start3A_83, %dma_start3A_84] : memref<32x125x80xi32, #tpu.memory_space<hbm>> -> memref<1x125x80xi32, #tpu.memory_space<hbm>>
      %dma_start3A_86 = tpu.memref_squeeze %dma_start3A_85 : memref<1x125x80xi32, #tpu.memory_space<hbm>> -> memref<125x80xi32, #tpu.memory_space<hbm>>
      tpu.enqueue_dma source(%dma_start3A_86 : memref<125x80xi32, #tpu.memory_space<hbm>>) target(%arg11 : memref<125x80xi32, #tpu.memory_space<vmem>>) target_semaphore(%run_scoped3A : memref<!tpu.dma_semaphore, #tpu.memory_space<semaphore_mem>>)
      %dma_wait3A = arith.constant 0 : i32
      %dma_wait3A_87 = arith.constant 0 : i32
      %dma_wait3A_88 = tpu.memref_slice %arg4[%add3A, %dma_wait3A, %dma_wait3A_87] : memref<32x125x80xi32, #tpu.memory_space<hbm>> -> memref<1x125x80xi32, #tpu.memory_space<hbm>>
      %dma_wait3A_89 = tpu.memref_squeeze %dma_wait3A_88 : memref<1x125x80xi32, #tpu.memory_space<hbm>> -> memref<125x80xi32, #tpu.memory_space<hbm>>
      %dma_wait3A_90 = arith.constant 0 : i32
      %dma_wait3A_91 = arith.constant 0 : i32
      %dma_wait3A_92 = tpu.memref_slice %arg4[%add3A, %dma_wait3A_90, %dma_wait3A_91] : memref<32x125x80xi32, #tpu.memory_space<hbm>> -> memref<1x125x80xi32, #tpu.memory_space<hbm>>
      %dma_wait3A_93 = tpu.memref_squeeze %dma_wait3A_92 : memref<1x125x80xi32, #tpu.memory_space<hbm>> -> memref<125x80xi32, #tpu.memory_space<hbm>>
      tpu.wait_dma2 semaphore(%run_scoped3A : memref<!tpu.dma_semaphore, #tpu.memory_space<semaphore_mem>>) src(%dma_wait3A_93 : memref<125x80xi32, #tpu.memory_space<hbm>>) dst(%arg11 : memref<125x80xi32, #tpu.memory_space<vmem>>)
      tpu.yield
    }) : () -> ()
    "tpu.region"() ({
      %run_scoped3A = tpu.sem_alloc : memref<!tpu.dma_semaphore, #tpu.memory_space<semaphore_mem>>
      tpu.enqueue_dma source(%arg7 : memref<80xf32, #tpu.memory_space<hbm>>) target(%arg15 : memref<80xf32, #tpu.memory_space<vmem>>) target_semaphore(%run_scoped3A : memref<!tpu.dma_semaphore, #tpu.memory_space<semaphore_mem>>)
      tpu.wait_dma2 semaphore(%run_scoped3A : memref<!tpu.dma_semaphore, #tpu.memory_space<semaphore_mem>>) src(%arg7 : memref<80xf32, #tpu.memory_space<hbm>>) dst(%arg15 : memref<80xf32, #tpu.memory_space<vmem>>)
      tpu.yield
    }) : () -> ()
    %mul3A_1 = arith.constant 625 : i32
    %mul3A_2 = arith.muli %arg1, %mul3A_1 : i32
    "tpu.region"() ({
      %run_scoped3A = tpu.sem_alloc : memref<!tpu.dma_semaphore, #tpu.memory_space<semaphore_mem>>
      %dma_start3A_79 = arith.constant 0 : i32
      %dma_start3A_80 = tpu.memref_slice %arg13[%mul3A_2, %dma_start3A_79] : memref<10000x64xf32, #tpu.memory_space<vmem_shared>> -> memref<625x64xf32, #tpu.memory_space<vmem_shared>>
      tpu.enqueue_dma source(%arg5 : memref<625x64xf32, #tpu.memory_space<hbm>>) target(%dma_start3A_80 : memref<625x64xf32, #tpu.memory_space<vmem_shared>>) target_semaphore(%run_scoped3A : memref<!tpu.dma_semaphore, #tpu.memory_space<semaphore_mem>>)
      %dma_wait3A = arith.constant 0 : i32
      %dma_wait3A_81 = tpu.memref_slice %arg13[%mul3A_2, %dma_wait3A] : memref<10000x64xf32, #tpu.memory_space<vmem_shared>> -> memref<625x64xf32, #tpu.memory_space<vmem_shared>>
      tpu.wait_dma2 semaphore(%run_scoped3A : memref<!tpu.dma_semaphore, #tpu.memory_space<semaphore_mem>>) src(%arg5 : memref<625x64xf32, #tpu.memory_space<hbm>>) dst(%dma_wait3A_81 : memref<625x64xf32, #tpu.memory_space<vmem_shared>>)
      tpu.yield
    }) : () -> ()
    %eq3A = arith.constant 0 : i32
    %eq3A_3 = arith.cmpi eq, %arg1, %eq3A : i32
    %convert_element_type3A = arith.extui %eq3A_3 : i1 to i32
    %cond3A = arith.constant 0 : i32
    %cond3A_4 = arith.cmpi ne, %convert_element_type3A, %cond3A : i32
    scf.if %cond3A_4 {
      "tpu.region"() ({
        %run_scoped3A = tpu.sem_alloc : memref<!tpu.dma_semaphore, #tpu.memory_space<semaphore_mem>>
        tpu.enqueue_dma source(%arg6 : memref<10000xf32, #tpu.memory_space<hbm>>) target(%arg14 : memref<10000xf32, #tpu.memory_space<vmem_shared>>) target_semaphore(%run_scoped3A : memref<!tpu.dma_semaphore, #tpu.memory_space<semaphore_mem>>)
        tpu.wait_dma2 semaphore(%run_scoped3A : memref<!tpu.dma_semaphore, #tpu.memory_space<semaphore_mem>>) src(%arg6 : memref<10000xf32, #tpu.memory_space<hbm>>) dst(%arg14 : memref<10000xf32, #tpu.memory_space<vmem_shared>>)
        tpu.yield
      }) : () -> ()
    } else {
    }
    %barrier3A = arith.constant 0 : index
    tpu.barrier barrier_id(%barrier3A)
    %dma_start3A = arith.constant 0 : i32
    %dma_start3A_5 = arith.constant 0 : i32
    %dma_start3A_6 = arith.constant 0 : i32
    %dma_start3A_7 = arith.constant 0 : i32
    %dma_start3A_8 = tpu.memref_slice %arg12[%dma_start3A_5, %dma_start3A_6, %dma_start3A_7] : memref<5x80x64xf32, #tpu.memory_space<vmem>> -> memref<1x80x64xf32, #tpu.memory_space<vmem>>
    %dma_start3A_9 = tpu.memref_squeeze %dma_start3A_8 : memref<1x80x64xf32, #tpu.memory_space<vmem>> -> memref<80x64xf32, #tpu.memory_space<vmem>>
    %dma_start3A_10 = arith.constant 0 : i32
    %dma_start3A_11 = tpu.memref_slice %arg10[%dma_start3A, %dma_start3A_10] : memref<125x80xi32, #tpu.memory_space<vmem>> -> memref<1x80xi32, #tpu.memory_space<vmem>>
    %dma_start3A_12 = tpu.memref_squeeze %dma_start3A_11 : memref<1x80xi32, #tpu.memory_space<vmem>> -> memref<80xi32, #tpu.memory_space<vmem>>
    %dma_start3A_13 = arith.constant 0 : i32
    %dma_start3A_14 = arith.constant 0 : i32
    %dma_start3A_15 = tpu.memref_slice %arg2[%dma_start3A_13, %dma_start3A_14] : memref<10000x64xf32, #tpu.memory_space<hbm>> -> memref<10000x64xf32, #tpu.memory_space<hbm>>
    tpu.enqueue_indirect_dma source(%dma_start3A_15 : memref<10000x64xf32, #tpu.memory_space<hbm>>) target(%dma_start3A_9 : memref<80x64xf32, #tpu.memory_space<vmem>>) offsets(%dma_start3A_12 : memref<80xi32, #tpu.memory_space<vmem>>) semaphore(%arg16 : memref<!tpu.dma_semaphore, #tpu.memory_space<semaphore_mem>>)
    %dma_start3A_16 = arith.constant 1 : i32
    %dma_start3A_17 = arith.constant 1 : i32
    %dma_start3A_18 = arith.constant 0 : i32
    %dma_start3A_19 = arith.constant 0 : i32
    %dma_start3A_20 = tpu.memref_slice %arg12[%dma_start3A_17, %dma_start3A_18, %dma_start3A_19] : memref<5x80x64xf32, #tpu.memory_space<vmem>> -> memref<1x80x64xf32, #tpu.memory_space<vmem>>
    %dma_start3A_21 = tpu.memref_squeeze %dma_start3A_20 : memref<1x80x64xf32, #tpu.memory_space<vmem>> -> memref<80x64xf32, #tpu.memory_space<vmem>>
    %dma_start3A_22 = arith.constant 0 : i32
    %dma_start3A_23 = tpu.memref_slice %arg10[%dma_start3A_16, %dma_start3A_22] : memref<125x80xi32, #tpu.memory_space<vmem>> -> memref<1x80xi32, #tpu.memory_space<vmem>>
    %dma_start3A_24 = tpu.memref_squeeze %dma_start3A_23 : memref<1x80xi32, #tpu.memory_space<vmem>> -> memref<80xi32, #tpu.memory_space<vmem>>
    %dma_start3A_25 = arith.constant 0 : i32
    %dma_start3A_26 = arith.constant 0 : i32
    %dma_start3A_27 = tpu.memref_slice %arg2[%dma_start3A_25, %dma_start3A_26] : memref<10000x64xf32, #tpu.memory_space<hbm>> -> memref<10000x64xf32, #tpu.memory_space<hbm>>
    tpu.enqueue_indirect_dma source(%dma_start3A_27 : memref<10000x64xf32, #tpu.memory_space<hbm>>) target(%dma_start3A_21 : memref<80x64xf32, #tpu.memory_space<vmem>>) offsets(%dma_start3A_24 : memref<80xi32, #tpu.memory_space<vmem>>) semaphore(%arg17 : memref<!tpu.dma_semaphore, #tpu.memory_space<semaphore_mem>>)
    %dma_start3A_28 = arith.constant 2 : i32
    %dma_start3A_29 = arith.constant 2 : i32
    %dma_start3A_30 = arith.constant 0 : i32
    %dma_start3A_31 = arith.constant 0 : i32
    %dma_start3A_32 = tpu.memref_slice %arg12[%dma_start3A_29, %dma_start3A_30, %dma_start3A_31] : memref<5x80x64xf32, #tpu.memory_space<vmem>> -> memref<1x80x64xf32, #tpu.memory_space<vmem>>
    %dma_start3A_33 = tpu.memref_squeeze %dma_start3A_32 : memref<1x80x64xf32, #tpu.memory_space<vmem>> -> memref<80x64xf32, #tpu.memory_space<vmem>>
    %dma_start3A_34 = arith.constant 0 : i32
    %dma_start3A_35 = tpu.memref_slice %arg10[%dma_start3A_28, %dma_start3A_34] : memref<125x80xi32, #tpu.memory_space<vmem>> -> memref<1x80xi32, #tpu.memory_space<vmem>>
    %dma_start3A_36 = tpu.memref_squeeze %dma_start3A_35 : memref<1x80xi32, #tpu.memory_space<vmem>> -> memref<80xi32, #tpu.memory_space<vmem>>
    %dma_start3A_37 = arith.constant 0 : i32
    %dma_start3A_38 = arith.constant 0 : i32
    %dma_start3A_39 = tpu.memref_slice %arg2[%dma_start3A_37, %dma_start3A_38] : memref<10000x64xf32, #tpu.memory_space<hbm>> -> memref<10000x64xf32, #tpu.memory_space<hbm>>
    tpu.enqueue_indirect_dma source(%dma_start3A_39 : memref<10000x64xf32, #tpu.memory_space<hbm>>) target(%dma_start3A_33 : memref<80x64xf32, #tpu.memory_space<vmem>>) offsets(%dma_start3A_36 : memref<80xi32, #tpu.memory_space<vmem>>) semaphore(%arg18 : memref<!tpu.dma_semaphore, #tpu.memory_space<semaphore_mem>>)
    %dma_start3A_40 = arith.constant 3 : i32
    %dma_start3A_41 = arith.constant 3 : i32
    %dma_start3A_42 = arith.constant 0 : i32
    %dma_start3A_43 = arith.constant 0 : i32
    %dma_start3A_44 = tpu.memref_slice %arg12[%dma_start3A_41, %dma_start3A_42, %dma_start3A_43] : memref<5x80x64xf32, #tpu.memory_space<vmem>> -> memref<1x80x64xf32, #tpu.memory_space<vmem>>
    %dma_start3A_45 = tpu.memref_squeeze %dma_start3A_44 : memref<1x80x64xf32, #tpu.memory_space<vmem>> -> memref<80x64xf32, #tpu.memory_space<vmem>>
    %dma_start3A_46 = arith.constant 0 : i32
    %dma_start3A_47 = tpu.memref_slice %arg10[%dma_start3A_40, %dma_start3A_46] : memref<125x80xi32, #tpu.memory_space<vmem>> -> memref<1x80xi32, #tpu.memory_space<vmem>>
    %dma_start3A_48 = tpu.memref_squeeze %dma_start3A_47 : memref<1x80xi32, #tpu.memory_space<vmem>> -> memref<80xi32, #tpu.memory_space<vmem>>
    %dma_start3A_49 = arith.constant 0 : i32
    %dma_start3A_50 = arith.constant 0 : i32
    %dma_start3A_51 = tpu.memref_slice %arg2[%dma_start3A_49, %dma_start3A_50] : memref<10000x64xf32, #tpu.memory_space<hbm>> -> memref<10000x64xf32, #tpu.memory_space<hbm>>
    tpu.enqueue_indirect_dma source(%dma_start3A_51 : memref<10000x64xf32, #tpu.memory_space<hbm>>) target(%dma_start3A_45 : memref<80x64xf32, #tpu.memory_space<vmem>>) offsets(%dma_start3A_48 : memref<80xi32, #tpu.memory_space<vmem>>) semaphore(%arg19 : memref<!tpu.dma_semaphore, #tpu.memory_space<semaphore_mem>>)
    %dma_start3A_52 = arith.constant 4 : i32
    %dma_start3A_53 = arith.constant 4 : i32
    %dma_start3A_54 = arith.constant 0 : i32
    %dma_start3A_55 = arith.constant 0 : i32
    %dma_start3A_56 = tpu.memref_slice %arg12[%dma_start3A_53, %dma_start3A_54, %dma_start3A_55] : memref<5x80x64xf32, #tpu.memory_space<vmem>> -> memref<1x80x64xf32, #tpu.memory_space<vmem>>
    %dma_start3A_57 = tpu.memref_squeeze %dma_start3A_56 : memref<1x80x64xf32, #tpu.memory_space<vmem>> -> memref<80x64xf32, #tpu.memory_space<vmem>>
    %dma_start3A_58 = arith.constant 0 : i32
    %dma_start3A_59 = tpu.memref_slice %arg10[%dma_start3A_52, %dma_start3A_58] : memref<125x80xi32, #tpu.memory_space<vmem>> -> memref<1x80xi32, #tpu.memory_space<vmem>>
    %dma_start3A_60 = tpu.memref_squeeze %dma_start3A_59 : memref<1x80xi32, #tpu.memory_space<vmem>> -> memref<80xi32, #tpu.memory_space<vmem>>
    %dma_start3A_61 = arith.constant 0 : i32
    %dma_start3A_62 = arith.constant 0 : i32
    %dma_start3A_63 = tpu.memref_slice %arg2[%dma_start3A_61, %dma_start3A_62] : memref<10000x64xf32, #tpu.memory_space<hbm>> -> memref<10000x64xf32, #tpu.memory_space<hbm>>
    tpu.enqueue_indirect_dma source(%dma_start3A_63 : memref<10000x64xf32, #tpu.memory_space<hbm>>) target(%dma_start3A_57 : memref<80x64xf32, #tpu.memory_space<vmem>>) offsets(%dma_start3A_60 : memref<80xi32, #tpu.memory_space<vmem>>) semaphore(%arg20 : memref<!tpu.dma_semaphore, #tpu.memory_space<semaphore_mem>>)
    %scan3A = arith.constant 0 : i32
    %scan3A_64 = arith.constant 0 : i32
    %scan3A_65 = arith.constant 25 : i32
    %scan3A_66 = arith.addi %scan3A_64, %scan3A_65 : i32
    %scan3A_67 = arith.constant 1 : i32
    scf.for %scan3A_79 = %scan3A_64 to %scan3A_66 step %scan3A_67  : i32 {
      %mul3A_80 = arith.constant 5 : i32
      %mul3A_81 = arith.muli %scan3A_79, %mul3A_80 : i32
      %add3A_82 = arith.constant 0 : i32
      %add3A_83 = arith.addi %mul3A_81, %add3A_82 : i32
      %dma_wait3A = arith.constant 0 : i32
      %dma_wait3A_84 = arith.constant 0 : i32
      %dma_wait3A_85 = arith.constant 0 : i32
      %dma_wait3A_86 = tpu.memref_slice %arg12[%dma_wait3A, %dma_wait3A_84, %dma_wait3A_85] : memref<5x80x64xf32, #tpu.memory_space<vmem>> -> memref<1x80x64xf32, #tpu.memory_space<vmem>>
      %dma_wait3A_87 = tpu.memref_squeeze %dma_wait3A_86 : memref<1x80x64xf32, #tpu.memory_space<vmem>> -> memref<80x64xf32, #tpu.memory_space<vmem>>
      %dma_wait3A_88 = arith.constant 0 : i32
      %dma_wait3A_89 = tpu.memref_slice %arg10[%add3A_83, %dma_wait3A_88] : memref<125x80xi32, #tpu.memory_space<vmem>> -> memref<1x80xi32, #tpu.memory_space<vmem>>
      %dma_wait3A_90 = tpu.memref_squeeze %dma_wait3A_89 : memref<1x80xi32, #tpu.memory_space<vmem>> -> memref<80xi32, #tpu.memory_space<vmem>>
      %dma_wait3A_91 = arith.constant 0 : i32
      %dma_wait3A_92 = arith.constant 0 : i32
      %dma_wait3A_93 = tpu.memref_slice %arg2[%dma_wait3A_91, %dma_wait3A_92] : memref<10000x64xf32, #tpu.memory_space<hbm>> -> memref<10000x64xf32, #tpu.memory_space<hbm>>
      tpu.wait_indirect_dma semaphore(%arg16 : memref<!tpu.dma_semaphore, #tpu.memory_space<semaphore_mem>>) src(%dma_wait3A_93 : memref<10000x64xf32, #tpu.memory_space<hbm>>) dst(%dma_wait3A_87 : memref<80x64xf32, #tpu.memory_space<vmem>>)
      %run_scoped3A = arith.constant 0 : i32
      "tpu.region"() ({
        %run_scoped3A_182 = tpu.sem_alloc : memref<!tpu.dma_semaphore, #tpu.memory_space<semaphore_mem>>
        %dma_start3A_183 = arith.constant 0 : i32
        %dma_start3A_184 = arith.constant 0 : i32
        %dma_start3A_185 = tpu.memref_slice %arg12[%run_scoped3A, %dma_start3A_183, %dma_start3A_184] : memref<5x80x64xf32, #tpu.memory_space<vmem>> -> memref<1x80x64xf32, #tpu.memory_space<vmem>>
        %dma_start3A_186 = tpu.memref_squeeze %dma_start3A_185 : memref<1x80x64xf32, #tpu.memory_space<vmem>> -> memref<80x64xf32, #tpu.memory_space<vmem>>
        %dma_start3A_187 = arith.constant 0 : i32
        %dma_start3A_188 = tpu.memref_slice %arg11[%add3A_83, %dma_start3A_187] : memref<125x80xi32, #tpu.memory_space<vmem>> -> memref<1x80xi32, #tpu.memory_space<vmem>>
        %dma_start3A_189 = tpu.memref_squeeze %dma_start3A_188 : memref<1x80xi32, #tpu.memory_space<vmem>> -> memref<80xi32, #tpu.memory_space<vmem>>
        %dma_start3A_190 = arith.constant 0 : i32
        %dma_start3A_191 = arith.constant 0 : i32
        %dma_start3A_192 = tpu.memref_slice %arg13[%dma_start3A_190, %dma_start3A_191] : memref<10000x64xf32, #tpu.memory_space<vmem_shared>> -> memref<10000x64xf32, #tpu.memory_space<vmem_shared>>
        tpu.enqueue_indirect_dma source(%dma_start3A_186 : memref<80x64xf32, #tpu.memory_space<vmem>>) target(%dma_start3A_192 : memref<10000x64xf32, #tpu.memory_space<vmem_shared>>) offsets(%dma_start3A_189 : memref<80xi32, #tpu.memory_space<vmem>>) semaphore(%run_scoped3A_182 : memref<!tpu.dma_semaphore, #tpu.memory_space<semaphore_mem>>) {add = true}
        %dma_wait3A_193 = arith.constant 0 : i32
        %dma_wait3A_194 = arith.constant 0 : i32
        %dma_wait3A_195 = tpu.memref_slice %arg12[%run_scoped3A, %dma_wait3A_193, %dma_wait3A_194] : memref<5x80x64xf32, #tpu.memory_space<vmem>> -> memref<1x80x64xf32, #tpu.memory_space<vmem>>
        %dma_wait3A_196 = tpu.memref_squeeze %dma_wait3A_195 : memref<1x80x64xf32, #tpu.memory_space<vmem>> -> memref<80x64xf32, #tpu.memory_space<vmem>>
        %dma_wait3A_197 = arith.constant 0 : i32
        %dma_wait3A_198 = tpu.memref_slice %arg11[%add3A_83, %dma_wait3A_197] : memref<125x80xi32, #tpu.memory_space<vmem>> -> memref<1x80xi32, #tpu.memory_space<vmem>>
        %dma_wait3A_199 = tpu.memref_squeeze %dma_wait3A_198 : memref<1x80xi32, #tpu.memory_space<vmem>> -> memref<80xi32, #tpu.memory_space<vmem>>
        %dma_wait3A_200 = arith.constant 0 : i32
        %dma_wait3A_201 = arith.constant 0 : i32
        %dma_wait3A_202 = tpu.memref_slice %arg13[%dma_wait3A_200, %dma_wait3A_201] : memref<10000x64xf32, #tpu.memory_space<vmem_shared>> -> memref<10000x64xf32, #tpu.memory_space<vmem_shared>>
        tpu.wait_indirect_dma semaphore(%run_scoped3A_182 : memref<!tpu.dma_semaphore, #tpu.memory_space<semaphore_mem>>) src(%dma_wait3A_196 : memref<80x64xf32, #tpu.memory_space<vmem>>) dst(%dma_wait3A_202 : memref<10000x64xf32, #tpu.memory_space<vmem_shared>>)
        tpu.yield
      }) : () -> ()
      "tpu.region"() ({
        %run_scoped3A_182 = tpu.sem_alloc : memref<!tpu.dma_semaphore, #tpu.memory_space<semaphore_mem>>
        %dma_start3A_183 = arith.constant 0 : i32
        %dma_start3A_184 = tpu.memref_slice %arg11[%add3A_83, %dma_start3A_183] : memref<125x80xi32, #tpu.memory_space<vmem>> -> memref<1x80xi32, #tpu.memory_space<vmem>>
        %dma_start3A_185 = tpu.memref_squeeze %dma_start3A_184 : memref<1x80xi32, #tpu.memory_space<vmem>> -> memref<80xi32, #tpu.memory_space<vmem>>
        %dma_start3A_186 = arith.constant 0 : i32
        %dma_start3A_187 = tpu.memref_slice %arg14[%dma_start3A_186] : memref<10000xf32, #tpu.memory_space<vmem_shared>> -> memref<10000xf32, #tpu.memory_space<vmem_shared>>
        tpu.enqueue_indirect_dma source(%arg15 : memref<80xf32, #tpu.memory_space<vmem>>) target(%dma_start3A_187 : memref<10000xf32, #tpu.memory_space<vmem_shared>>) offsets(%dma_start3A_185 : memref<80xi32, #tpu.memory_space<vmem>>) semaphore(%run_scoped3A_182 : memref<!tpu.dma_semaphore, #tpu.memory_space<semaphore_mem>>) {add = true}
        %dma_wait3A_188 = arith.constant 0 : i32
        %dma_wait3A_189 = tpu.memref_slice %arg11[%add3A_83, %dma_wait3A_188] : memref<125x80xi32, #tpu.memory_space<vmem>> -> memref<1x80xi32, #tpu.memory_space<vmem>>
        %dma_wait3A_190 = tpu.memref_squeeze %dma_wait3A_189 : memref<1x80xi32, #tpu.memory_space<vmem>> -> memref<80xi32, #tpu.memory_space<vmem>>
        %dma_wait3A_191 = arith.constant 0 : i32
        %dma_wait3A_192 = tpu.memref_slice %arg14[%dma_wait3A_191] : memref<10000xf32, #tpu.memory_space<vmem_shared>> -> memref<10000xf32, #tpu.memory_space<vmem_shared>>
        tpu.wait_indirect_dma semaphore(%run_scoped3A_182 : memref<!tpu.dma_semaphore, #tpu.memory_space<semaphore_mem>>) src(%arg15 : memref<80xf32, #tpu.memory_space<vmem>>) dst(%dma_wait3A_192 : memref<10000xf32, #tpu.memory_space<vmem_shared>>)
        tpu.yield
      }) : () -> ()
      %lt3A = arith.constant 24 : i32
      %lt3A_94 = arith.cmpi slt, %scan3A_79, %lt3A : i32
      %convert_element_type3A_95 = arith.extui %lt3A_94 : i1 to i32
      %cond3A_96 = arith.constant 0 : i32
      %cond3A_97 = arith.cmpi ne, %convert_element_type3A_95, %cond3A_96 : i32
      scf.if %cond3A_97 {
        %add3A_182 = arith.constant 5 : i32
        %add3A_183 = arith.addi %add3A_83, %add3A_182 : i32
        %dma_start3A_184 = arith.constant 0 : i32
        %dma_start3A_185 = arith.constant 0 : i32
        %dma_start3A_186 = arith.constant 0 : i32
        %dma_start3A_187 = tpu.memref_slice %arg12[%dma_start3A_184, %dma_start3A_185, %dma_start3A_186] : memref<5x80x64xf32, #tpu.memory_space<vmem>> -> memref<1x80x64xf32, #tpu.memory_space<vmem>>
        %dma_start3A_188 = tpu.memref_squeeze %dma_start3A_187 : memref<1x80x64xf32, #tpu.memory_space<vmem>> -> memref<80x64xf32, #tpu.memory_space<vmem>>
        %dma_start3A_189 = arith.constant 0 : i32
        %dma_start3A_190 = tpu.memref_slice %arg10[%add3A_183, %dma_start3A_189] : memref<125x80xi32, #tpu.memory_space<vmem>> -> memref<1x80xi32, #tpu.memory_space<vmem>>
        %dma_start3A_191 = tpu.memref_squeeze %dma_start3A_190 : memref<1x80xi32, #tpu.memory_space<vmem>> -> memref<80xi32, #tpu.memory_space<vmem>>
        %dma_start3A_192 = arith.constant 0 : i32
        %dma_start3A_193 = arith.constant 0 : i32
        %dma_start3A_194 = tpu.memref_slice %arg2[%dma_start3A_192, %dma_start3A_193] : memref<10000x64xf32, #tpu.memory_space<hbm>> -> memref<10000x64xf32, #tpu.memory_space<hbm>>
        tpu.enqueue_indirect_dma source(%dma_start3A_194 : memref<10000x64xf32, #tpu.memory_space<hbm>>) target(%dma_start3A_188 : memref<80x64xf32, #tpu.memory_space<vmem>>) offsets(%dma_start3A_191 : memref<80xi32, #tpu.memory_space<vmem>>) semaphore(%arg16 : memref<!tpu.dma_semaphore, #tpu.memory_space<semaphore_mem>>)
      } else {
      }
      %mul3A_98 = arith.constant 5 : i32
      %mul3A_99 = arith.muli %scan3A_79, %mul3A_98 : i32
      %add3A_100 = arith.constant 1 : i32
      %add3A_101 = arith.addi %mul3A_99, %add3A_100 : i32
      %dma_wait3A_102 = arith.constant 1 : i32
      %dma_wait3A_103 = arith.constant 0 : i32
      %dma_wait3A_104 = arith.constant 0 : i32
      %dma_wait3A_105 = tpu.memref_slice %arg12[%dma_wait3A_102, %dma_wait3A_103, %dma_wait3A_104] : memref<5x80x64xf32, #tpu.memory_space<vmem>> -> memref<1x80x64xf32, #tpu.memory_space<vmem>>
      %dma_wait3A_106 = tpu.memref_squeeze %dma_wait3A_105 : memref<1x80x64xf32, #tpu.memory_space<vmem>> -> memref<80x64xf32, #tpu.memory_space<vmem>>
      %dma_wait3A_107 = arith.constant 0 : i32
      %dma_wait3A_108 = tpu.memref_slice %arg10[%add3A_101, %dma_wait3A_107] : memref<125x80xi32, #tpu.memory_space<vmem>> -> memref<1x80xi32, #tpu.memory_space<vmem>>
      %dma_wait3A_109 = tpu.memref_squeeze %dma_wait3A_108 : memref<1x80xi32, #tpu.memory_space<vmem>> -> memref<80xi32, #tpu.memory_space<vmem>>
      %dma_wait3A_110 = arith.constant 0 : i32
      %dma_wait3A_111 = arith.constant 0 : i32
      %dma_wait3A_112 = tpu.memref_slice %arg2[%dma_wait3A_110, %dma_wait3A_111] : memref<10000x64xf32, #tpu.memory_space<hbm>> -> memref<10000x64xf32, #tpu.memory_space<hbm>>
      tpu.wait_indirect_dma semaphore(%arg17 : memref<!tpu.dma_semaphore, #tpu.memory_space<semaphore_mem>>) src(%dma_wait3A_112 : memref<10000x64xf32, #tpu.memory_space<hbm>>) dst(%dma_wait3A_106 : memref<80x64xf32, #tpu.memory_space<vmem>>)
      %run_scoped3A_113 = arith.constant 1 : i32
      "tpu.region"() ({
        %run_scoped3A_182 = tpu.sem_alloc : memref<!tpu.dma_semaphore, #tpu.memory_space<semaphore_mem>>
        %dma_start3A_183 = arith.constant 0 : i32
        %dma_start3A_184 = arith.constant 0 : i32
        %dma_start3A_185 = tpu.memref_slice %arg12[%run_scoped3A_113, %dma_start3A_183, %dma_start3A_184] : memref<5x80x64xf32, #tpu.memory_space<vmem>> -> memref<1x80x64xf32, #tpu.memory_space<vmem>>
        %dma_start3A_186 = tpu.memref_squeeze %dma_start3A_185 : memref<1x80x64xf32, #tpu.memory_space<vmem>> -> memref<80x64xf32, #tpu.memory_space<vmem>>
        %dma_start3A_187 = arith.constant 0 : i32
        %dma_start3A_188 = tpu.memref_slice %arg11[%add3A_101, %dma_start3A_187] : memref<125x80xi32, #tpu.memory_space<vmem>> -> memref<1x80xi32, #tpu.memory_space<vmem>>
        %dma_start3A_189 = tpu.memref_squeeze %dma_start3A_188 : memref<1x80xi32, #tpu.memory_space<vmem>> -> memref<80xi32, #tpu.memory_space<vmem>>
        %dma_start3A_190 = arith.constant 0 : i32
        %dma_start3A_191 = arith.constant 0 : i32
        %dma_start3A_192 = tpu.memref_slice %arg13[%dma_start3A_190, %dma_start3A_191] : memref<10000x64xf32, #tpu.memory_space<vmem_shared>> -> memref<10000x64xf32, #tpu.memory_space<vmem_shared>>
        tpu.enqueue_indirect_dma source(%dma_start3A_186 : memref<80x64xf32, #tpu.memory_space<vmem>>) target(%dma_start3A_192 : memref<10000x64xf32, #tpu.memory_space<vmem_shared>>) offsets(%dma_start3A_189 : memref<80xi32, #tpu.memory_space<vmem>>) semaphore(%run_scoped3A_182 : memref<!tpu.dma_semaphore, #tpu.memory_space<semaphore_mem>>) {add = true}
        %dma_wait3A_193 = arith.constant 0 : i32
        %dma_wait3A_194 = arith.constant 0 : i32
        %dma_wait3A_195 = tpu.memref_slice %arg12[%run_scoped3A_113, %dma_wait3A_193, %dma_wait3A_194] : memref<5x80x64xf32, #tpu.memory_space<vmem>> -> memref<1x80x64xf32, #tpu.memory_space<vmem>>
        %dma_wait3A_196 = tpu.memref_squeeze %dma_wait3A_195 : memref<1x80x64xf32, #tpu.memory_space<vmem>> -> memref<80x64xf32, #tpu.memory_space<vmem>>
        %dma_wait3A_197 = arith.constant 0 : i32
        %dma_wait3A_198 = tpu.memref_slice %arg11[%add3A_101, %dma_wait3A_197] : memref<125x80xi32, #tpu.memory_space<vmem>> -> memref<1x80xi32, #tpu.memory_space<vmem>>
        %dma_wait3A_199 = tpu.memref_squeeze %dma_wait3A_198 : memref<1x80xi32, #tpu.memory_space<vmem>> -> memref<80xi32, #tpu.memory_space<vmem>>
        %dma_wait3A_200 = arith.constant 0 : i32
        %dma_wait3A_201 = arith.constant 0 : i32
        %dma_wait3A_202 = tpu.memref_slice %arg13[%dma_wait3A_200, %dma_wait3A_201] : memref<10000x64xf32, #tpu.memory_space<vmem_shared>> -> memref<10000x64xf32, #tpu.memory_space<vmem_shared>>
        tpu.wait_indirect_dma semaphore(%run_scoped3A_182 : memref<!tpu.dma_semaphore, #tpu.memory_space<semaphore_mem>>) src(%dma_wait3A_196 : memref<80x64xf32, #tpu.memory_space<vmem>>) dst(%dma_wait3A_202 : memref<10000x64xf32, #tpu.memory_space<vmem_shared>>)
        tpu.yield
      }) : () -> ()
      "tpu.region"() ({
        %run_scoped3A_182 = tpu.sem_alloc : memref<!tpu.dma_semaphore, #tpu.memory_space<semaphore_mem>>
        %dma_start3A_183 = arith.constant 0 : i32
        %dma_start3A_184 = tpu.memref_slice %arg11[%add3A_101, %dma_start3A_183] : memref<125x80xi32, #tpu.memory_space<vmem>> -> memref<1x80xi32, #tpu.memory_space<vmem>>
        %dma_start3A_185 = tpu.memref_squeeze %dma_start3A_184 : memref<1x80xi32, #tpu.memory_space<vmem>> -> memref<80xi32, #tpu.memory_space<vmem>>
        %dma_start3A_186 = arith.constant 0 : i32
        %dma_start3A_187 = tpu.memref_slice %arg14[%dma_start3A_186] : memref<10000xf32, #tpu.memory_space<vmem_shared>> -> memref<10000xf32, #tpu.memory_space<vmem_shared>>
        tpu.enqueue_indirect_dma source(%arg15 : memref<80xf32, #tpu.memory_space<vmem>>) target(%dma_start3A_187 : memref<10000xf32, #tpu.memory_space<vmem_shared>>) offsets(%dma_start3A_185 : memref<80xi32, #tpu.memory_space<vmem>>) semaphore(%run_scoped3A_182 : memref<!tpu.dma_semaphore, #tpu.memory_space<semaphore_mem>>) {add = true}
        %dma_wait3A_188 = arith.constant 0 : i32
        %dma_wait3A_189 = tpu.memref_slice %arg11[%add3A_101, %dma_wait3A_188] : memref<125x80xi32, #tpu.memory_space<vmem>> -> memref<1x80xi32, #tpu.memory_space<vmem>>
        %dma_wait3A_190 = tpu.memref_squeeze %dma_wait3A_189 : memref<1x80xi32, #tpu.memory_space<vmem>> -> memref<80xi32, #tpu.memory_space<vmem>>
        %dma_wait3A_191 = arith.constant 0 : i32
        %dma_wait3A_192 = tpu.memref_slice %arg14[%dma_wait3A_191] : memref<10000xf32, #tpu.memory_space<vmem_shared>> -> memref<10000xf32, #tpu.memory_space<vmem_shared>>
        tpu.wait_indirect_dma semaphore(%run_scoped3A_182 : memref<!tpu.dma_semaphore, #tpu.memory_space<semaphore_mem>>) src(%arg15 : memref<80xf32, #tpu.memory_space<vmem>>) dst(%dma_wait3A_192 : memref<10000xf32, #tpu.memory_space<vmem_shared>>)
        tpu.yield
      }) : () -> ()
      %lt3A_114 = arith.constant 24 : i32
      %lt3A_115 = arith.cmpi slt, %scan3A_79, %lt3A_114 : i32
      %convert_element_type3A_116 = arith.extui %lt3A_115 : i1 to i32
      %cond3A_117 = arith.constant 0 : i32
      %cond3A_118 = arith.cmpi ne, %convert_element_type3A_116, %cond3A_117 : i32
      scf.if %cond3A_118 {
        %add3A_182 = arith.constant 5 : i32
        %add3A_183 = arith.addi %add3A_101, %add3A_182 : i32
        %dma_start3A_184 = arith.constant 1 : i32
        %dma_start3A_185 = arith.constant 0 : i32
        %dma_start3A_186 = arith.constant 0 : i32
        %dma_start3A_187 = tpu.memref_slice %arg12[%dma_start3A_184, %dma_start3A_185, %dma_start3A_186] : memref<5x80x64xf32, #tpu.memory_space<vmem>> -> memref<1x80x64xf32, #tpu.memory_space<vmem>>
        %dma_start3A_188 = tpu.memref_squeeze %dma_start3A_187 : memref<1x80x64xf32, #tpu.memory_space<vmem>> -> memref<80x64xf32, #tpu.memory_space<vmem>>
        %dma_start3A_189 = arith.constant 0 : i32
        %dma_start3A_190 = tpu.memref_slice %arg10[%add3A_183, %dma_start3A_189] : memref<125x80xi32, #tpu.memory_space<vmem>> -> memref<1x80xi32, #tpu.memory_space<vmem>>
        %dma_start3A_191 = tpu.memref_squeeze %dma_start3A_190 : memref<1x80xi32, #tpu.memory_space<vmem>> -> memref<80xi32, #tpu.memory_space<vmem>>
        %dma_start3A_192 = arith.constant 0 : i32
        %dma_start3A_193 = arith.constant 0 : i32
        %dma_start3A_194 = tpu.memref_slice %arg2[%dma_start3A_192, %dma_start3A_193] : memref<10000x64xf32, #tpu.memory_space<hbm>> -> memref<10000x64xf32, #tpu.memory_space<hbm>>
        tpu.enqueue_indirect_dma source(%dma_start3A_194 : memref<10000x64xf32, #tpu.memory_space<hbm>>) target(%dma_start3A_188 : memref<80x64xf32, #tpu.memory_space<vmem>>) offsets(%dma_start3A_191 : memref<80xi32, #tpu.memory_space<vmem>>) semaphore(%arg17 : memref<!tpu.dma_semaphore, #tpu.memory_space<semaphore_mem>>)
      } else {
      }
      %mul3A_119 = arith.constant 5 : i32
      %mul3A_120 = arith.muli %scan3A_79, %mul3A_119 : i32
      %add3A_121 = arith.constant 2 : i32
      %add3A_122 = arith.addi %mul3A_120, %add3A_121 : i32
      %dma_wait3A_123 = arith.constant 2 : i32
      %dma_wait3A_124 = arith.constant 0 : i32
      %dma_wait3A_125 = arith.constant 0 : i32
      %dma_wait3A_126 = tpu.memref_slice %arg12[%dma_wait3A_123, %dma_wait3A_124, %dma_wait3A_125] : memref<5x80x64xf32, #tpu.memory_space<vmem>> -> memref<1x80x64xf32, #tpu.memory_space<vmem>>
      %dma_wait3A_127 = tpu.memref_squeeze %dma_wait3A_126 : memref<1x80x64xf32, #tpu.memory_space<vmem>> -> memref<80x64xf32, #tpu.memory_space<vmem>>
      %dma_wait3A_128 = arith.constant 0 : i32
      %dma_wait3A_129 = tpu.memref_slice %arg10[%add3A_122, %dma_wait3A_128] : memref<125x80xi32, #tpu.memory_space<vmem>> -> memref<1x80xi32, #tpu.memory_space<vmem>>
      %dma_wait3A_130 = tpu.memref_squeeze %dma_wait3A_129 : memref<1x80xi32, #tpu.memory_space<vmem>> -> memref<80xi32, #tpu.memory_space<vmem>>
      %dma_wait3A_131 = arith.constant 0 : i32
      %dma_wait3A_132 = arith.constant 0 : i32
      %dma_wait3A_133 = tpu.memref_slice %arg2[%dma_wait3A_131, %dma_wait3A_132] : memref<10000x64xf32, #tpu.memory_space<hbm>> -> memref<10000x64xf32, #tpu.memory_space<hbm>>
      tpu.wait_indirect_dma semaphore(%arg18 : memref<!tpu.dma_semaphore, #tpu.memory_space<semaphore_mem>>) src(%dma_wait3A_133 : memref<10000x64xf32, #tpu.memory_space<hbm>>) dst(%dma_wait3A_127 : memref<80x64xf32, #tpu.memory_space<vmem>>)
      %run_scoped3A_134 = arith.constant 2 : i32
      "tpu.region"() ({
        %run_scoped3A_182 = tpu.sem_alloc : memref<!tpu.dma_semaphore, #tpu.memory_space<semaphore_mem>>
        %dma_start3A_183 = arith.constant 0 : i32
        %dma_start3A_184 = arith.constant 0 : i32
        %dma_start3A_185 = tpu.memref_slice %arg12[%run_scoped3A_134, %dma_start3A_183, %dma_start3A_184] : memref<5x80x64xf32, #tpu.memory_space<vmem>> -> memref<1x80x64xf32, #tpu.memory_space<vmem>>
        %dma_start3A_186 = tpu.memref_squeeze %dma_start3A_185 : memref<1x80x64xf32, #tpu.memory_space<vmem>> -> memref<80x64xf32, #tpu.memory_space<vmem>>
        %dma_start3A_187 = arith.constant 0 : i32
        %dma_start3A_188 = tpu.memref_slice %arg11[%add3A_122, %dma_start3A_187] : memref<125x80xi32, #tpu.memory_space<vmem>> -> memref<1x80xi32, #tpu.memory_space<vmem>>
        %dma_start3A_189 = tpu.memref_squeeze %dma_start3A_188 : memref<1x80xi32, #tpu.memory_space<vmem>> -> memref<80xi32, #tpu.memory_space<vmem>>
        %dma_start3A_190 = arith.constant 0 : i32
        %dma_start3A_191 = arith.constant 0 : i32
        %dma_start3A_192 = tpu.memref_slice %arg13[%dma_start3A_190, %dma_start3A_191] : memref<10000x64xf32, #tpu.memory_space<vmem_shared>> -> memref<10000x64xf32, #tpu.memory_space<vmem_shared>>
        tpu.enqueue_indirect_dma source(%dma_start3A_186 : memref<80x64xf32, #tpu.memory_space<vmem>>) target(%dma_start3A_192 : memref<10000x64xf32, #tpu.memory_space<vmem_shared>>) offsets(%dma_start3A_189 : memref<80xi32, #tpu.memory_space<vmem>>) semaphore(%run_scoped3A_182 : memref<!tpu.dma_semaphore, #tpu.memory_space<semaphore_mem>>) {add = true}
        %dma_wait3A_193 = arith.constant 0 : i32
        %dma_wait3A_194 = arith.constant 0 : i32
        %dma_wait3A_195 = tpu.memref_slice %arg12[%run_scoped3A_134, %dma_wait3A_193, %dma_wait3A_194] : memref<5x80x64xf32, #tpu.memory_space<vmem>> -> memref<1x80x64xf32, #tpu.memory_space<vmem>>
        %dma_wait3A_196 = tpu.memref_squeeze %dma_wait3A_195 : memref<1x80x64xf32, #tpu.memory_space<vmem>> -> memref<80x64xf32, #tpu.memory_space<vmem>>
        %dma_wait3A_197 = arith.constant 0 : i32
        %dma_wait3A_198 = tpu.memref_slice %arg11[%add3A_122, %dma_wait3A_197] : memref<125x80xi32, #tpu.memory_space<vmem>> -> memref<1x80xi32, #tpu.memory_space<vmem>>
        %dma_wait3A_199 = tpu.memref_squeeze %dma_wait3A_198 : memref<1x80xi32, #tpu.memory_space<vmem>> -> memref<80xi32, #tpu.memory_space<vmem>>
        %dma_wait3A_200 = arith.constant 0 : i32
        %dma_wait3A_201 = arith.constant 0 : i32
        %dma_wait3A_202 = tpu.memref_slice %arg13[%dma_wait3A_200, %dma_wait3A_201] : memref<10000x64xf32, #tpu.memory_space<vmem_shared>> -> memref<10000x64xf32, #tpu.memory_space<vmem_shared>>
        tpu.wait_indirect_dma semaphore(%run_scoped3A_182 : memref<!tpu.dma_semaphore, #tpu.memory_space<semaphore_mem>>) src(%dma_wait3A_196 : memref<80x64xf32, #tpu.memory_space<vmem>>) dst(%dma_wait3A_202 : memref<10000x64xf32, #tpu.memory_space<vmem_shared>>)
        tpu.yield
      }) : () -> ()
      "tpu.region"() ({
        %run_scoped3A_182 = tpu.sem_alloc : memref<!tpu.dma_semaphore, #tpu.memory_space<semaphore_mem>>
        %dma_start3A_183 = arith.constant 0 : i32
        %dma_start3A_184 = tpu.memref_slice %arg11[%add3A_122, %dma_start3A_183] : memref<125x80xi32, #tpu.memory_space<vmem>> -> memref<1x80xi32, #tpu.memory_space<vmem>>
        %dma_start3A_185 = tpu.memref_squeeze %dma_start3A_184 : memref<1x80xi32, #tpu.memory_space<vmem>> -> memref<80xi32, #tpu.memory_space<vmem>>
        %dma_start3A_186 = arith.constant 0 : i32
        %dma_start3A_187 = tpu.memref_slice %arg14[%dma_start3A_186] : memref<10000xf32, #tpu.memory_space<vmem_shared>> -> memref<10000xf32, #tpu.memory_space<vmem_shared>>
        tpu.enqueue_indirect_dma source(%arg15 : memref<80xf32, #tpu.memory_space<vmem>>) target(%dma_start3A_187 : memref<10000xf32, #tpu.memory_space<vmem_shared>>) offsets(%dma_start3A_185 : memref<80xi32, #tpu.memory_space<vmem>>) semaphore(%run_scoped3A_182 : memref<!tpu.dma_semaphore, #tpu.memory_space<semaphore_mem>>) {add = true}
        %dma_wait3A_188 = arith.constant 0 : i32
        %dma_wait3A_189 = tpu.memref_slice %arg11[%add3A_122, %dma_wait3A_188] : memref<125x80xi32, #tpu.memory_space<vmem>> -> memref<1x80xi32, #tpu.memory_space<vmem>>
        %dma_wait3A_190 = tpu.memref_squeeze %dma_wait3A_189 : memref<1x80xi32, #tpu.memory_space<vmem>> -> memref<80xi32, #tpu.memory_space<vmem>>
        %dma_wait3A_191 = arith.constant 0 : i32
        %dma_wait3A_192 = tpu.memref_slice %arg14[%dma_wait3A_191] : memref<10000xf32, #tpu.memory_space<vmem_shared>> -> memref<10000xf32, #tpu.memory_space<vmem_shared>>
        tpu.wait_indirect_dma semaphore(%run_scoped3A_182 : memref<!tpu.dma_semaphore, #tpu.memory_space<semaphore_mem>>) src(%arg15 : memref<80xf32, #tpu.memory_space<vmem>>) dst(%dma_wait3A_192 : memref<10000xf32, #tpu.memory_space<vmem_shared>>)
        tpu.yield
      }) : () -> ()
      %lt3A_135 = arith.constant 24 : i32
      %lt3A_136 = arith.cmpi slt, %scan3A_79, %lt3A_135 : i32
      %convert_element_type3A_137 = arith.extui %lt3A_136 : i1 to i32
      %cond3A_138 = arith.constant 0 : i32
      %cond3A_139 = arith.cmpi ne, %convert_element_type3A_137, %cond3A_138 : i32
      scf.if %cond3A_139 {
        %add3A_182 = arith.constant 5 : i32
        %add3A_183 = arith.addi %add3A_122, %add3A_182 : i32
        %dma_start3A_184 = arith.constant 2 : i32
        %dma_start3A_185 = arith.constant 0 : i32
        %dma_start3A_186 = arith.constant 0 : i32
        %dma_start3A_187 = tpu.memref_slice %arg12[%dma_start3A_184, %dma_start3A_185, %dma_start3A_186] : memref<5x80x64xf32, #tpu.memory_space<vmem>> -> memref<1x80x64xf32, #tpu.memory_space<vmem>>
        %dma_start3A_188 = tpu.memref_squeeze %dma_start3A_187 : memref<1x80x64xf32, #tpu.memory_space<vmem>> -> memref<80x64xf32, #tpu.memory_space<vmem>>
        %dma_start3A_189 = arith.constant 0 : i32
        %dma_start3A_190 = tpu.memref_slice %arg10[%add3A_183, %dma_start3A_189] : memref<125x80xi32, #tpu.memory_space<vmem>> -> memref<1x80xi32, #tpu.memory_space<vmem>>
        %dma_start3A_191 = tpu.memref_squeeze %dma_start3A_190 : memref<1x80xi32, #tpu.memory_space<vmem>> -> memref<80xi32, #tpu.memory_space<vmem>>
        %dma_start3A_192 = arith.constant 0 : i32
        %dma_start3A_193 = arith.constant 0 : i32
        %dma_start3A_194 = tpu.memref_slice %arg2[%dma_start3A_192, %dma_start3A_193] : memref<10000x64xf32, #tpu.memory_space<hbm>> -> memref<10000x64xf32, #tpu.memory_space<hbm>>
        tpu.enqueue_indirect_dma source(%dma_start3A_194 : memref<10000x64xf32, #tpu.memory_space<hbm>>) target(%dma_start3A_188 : memref<80x64xf32, #tpu.memory_space<vmem>>) offsets(%dma_start3A_191 : memref<80xi32, #tpu.memory_space<vmem>>) semaphore(%arg18 : memref<!tpu.dma_semaphore, #tpu.memory_space<semaphore_mem>>)
      } else {
      }
      %mul3A_140 = arith.constant 5 : i32
      %mul3A_141 = arith.muli %scan3A_79, %mul3A_140 : i32
      %add3A_142 = arith.constant 3 : i32
      %add3A_143 = arith.addi %mul3A_141, %add3A_142 : i32
      %dma_wait3A_144 = arith.constant 3 : i32
      %dma_wait3A_145 = arith.constant 0 : i32
      %dma_wait3A_146 = arith.constant 0 : i32
      %dma_wait3A_147 = tpu.memref_slice %arg12[%dma_wait3A_144, %dma_wait3A_145, %dma_wait3A_146] : memref<5x80x64xf32, #tpu.memory_space<vmem>> -> memref<1x80x64xf32, #tpu.memory_space<vmem>>
      %dma_wait3A_148 = tpu.memref_squeeze %dma_wait3A_147 : memref<1x80x64xf32, #tpu.memory_space<vmem>> -> memref<80x64xf32, #tpu.memory_space<vmem>>
      %dma_wait3A_149 = arith.constant 0 : i32
      %dma_wait3A_150 = tpu.memref_slice %arg10[%add3A_143, %dma_wait3A_149] : memref<125x80xi32, #tpu.memory_space<vmem>> -> memref<1x80xi32, #tpu.memory_space<vmem>>
      %dma_wait3A_151 = tpu.memref_squeeze %dma_wait3A_150 : memref<1x80xi32, #tpu.memory_space<vmem>> -> memref<80xi32, #tpu.memory_space<vmem>>
      %dma_wait3A_152 = arith.constant 0 : i32
      %dma_wait3A_153 = arith.constant 0 : i32
      %dma_wait3A_154 = tpu.memref_slice %arg2[%dma_wait3A_152, %dma_wait3A_153] : memref<10000x64xf32, #tpu.memory_space<hbm>> -> memref<10000x64xf32, #tpu.memory_space<hbm>>
      tpu.wait_indirect_dma semaphore(%arg19 : memref<!tpu.dma_semaphore, #tpu.memory_space<semaphore_mem>>) src(%dma_wait3A_154 : memref<10000x64xf32, #tpu.memory_space<hbm>>) dst(%dma_wait3A_148 : memref<80x64xf32, #tpu.memory_space<vmem>>)
      %run_scoped3A_155 = arith.constant 3 : i32
      "tpu.region"() ({
        %run_scoped3A_182 = tpu.sem_alloc : memref<!tpu.dma_semaphore, #tpu.memory_space<semaphore_mem>>
        %dma_start3A_183 = arith.constant 0 : i32
        %dma_start3A_184 = arith.constant 0 : i32
        %dma_start3A_185 = tpu.memref_slice %arg12[%run_scoped3A_155, %dma_start3A_183, %dma_start3A_184] : memref<5x80x64xf32, #tpu.memory_space<vmem>> -> memref<1x80x64xf32, #tpu.memory_space<vmem>>
        %dma_start3A_186 = tpu.memref_squeeze %dma_start3A_185 : memref<1x80x64xf32, #tpu.memory_space<vmem>> -> memref<80x64xf32, #tpu.memory_space<vmem>>
        %dma_start3A_187 = arith.constant 0 : i32
        %dma_start3A_188 = tpu.memref_slice %arg11[%add3A_143, %dma_start3A_187] : memref<125x80xi32, #tpu.memory_space<vmem>> -> memref<1x80xi32, #tpu.memory_space<vmem>>
        %dma_start3A_189 = tpu.memref_squeeze %dma_start3A_188 : memref<1x80xi32, #tpu.memory_space<vmem>> -> memref<80xi32, #tpu.memory_space<vmem>>
        %dma_start3A_190 = arith.constant 0 : i32
        %dma_start3A_191 = arith.constant 0 : i32
        %dma_start3A_192 = tpu.memref_slice %arg13[%dma_start3A_190, %dma_start3A_191] : memref<10000x64xf32, #tpu.memory_space<vmem_shared>> -> memref<10000x64xf32, #tpu.memory_space<vmem_shared>>
        tpu.enqueue_indirect_dma source(%dma_start3A_186 : memref<80x64xf32, #tpu.memory_space<vmem>>) target(%dma_start3A_192 : memref<10000x64xf32, #tpu.memory_space<vmem_shared>>) offsets(%dma_start3A_189 : memref<80xi32, #tpu.memory_space<vmem>>) semaphore(%run_scoped3A_182 : memref<!tpu.dma_semaphore, #tpu.memory_space<semaphore_mem>>) {add = true}
        %dma_wait3A_193 = arith.constant 0 : i32
        %dma_wait3A_194 = arith.constant 0 : i32
        %dma_wait3A_195 = tpu.memref_slice %arg12[%run_scoped3A_155, %dma_wait3A_193, %dma_wait3A_194] : memref<5x80x64xf32, #tpu.memory_space<vmem>> -> memref<1x80x64xf32, #tpu.memory_space<vmem>>
        %dma_wait3A_196 = tpu.memref_squeeze %dma_wait3A_195 : memref<1x80x64xf32, #tpu.memory_space<vmem>> -> memref<80x64xf32, #tpu.memory_space<vmem>>
        %dma_wait3A_197 = arith.constant 0 : i32
        %dma_wait3A_198 = tpu.memref_slice %arg11[%add3A_143, %dma_wait3A_197] : memref<125x80xi32, #tpu.memory_space<vmem>> -> memref<1x80xi32, #tpu.memory_space<vmem>>
        %dma_wait3A_199 = tpu.memref_squeeze %dma_wait3A_198 : memref<1x80xi32, #tpu.memory_space<vmem>> -> memref<80xi32, #tpu.memory_space<vmem>>
        %dma_wait3A_200 = arith.constant 0 : i32
        %dma_wait3A_201 = arith.constant 0 : i32
        %dma_wait3A_202 = tpu.memref_slice %arg13[%dma_wait3A_200, %dma_wait3A_201] : memref<10000x64xf32, #tpu.memory_space<vmem_shared>> -> memref<10000x64xf32, #tpu.memory_space<vmem_shared>>
        tpu.wait_indirect_dma semaphore(%run_scoped3A_182 : memref<!tpu.dma_semaphore, #tpu.memory_space<semaphore_mem>>) src(%dma_wait3A_196 : memref<80x64xf32, #tpu.memory_space<vmem>>) dst(%dma_wait3A_202 : memref<10000x64xf32, #tpu.memory_space<vmem_shared>>)
        tpu.yield
      }) : () -> ()
      "tpu.region"() ({
        %run_scoped3A_182 = tpu.sem_alloc : memref<!tpu.dma_semaphore, #tpu.memory_space<semaphore_mem>>
        %dma_start3A_183 = arith.constant 0 : i32
        %dma_start3A_184 = tpu.memref_slice %arg11[%add3A_143, %dma_start3A_183] : memref<125x80xi32, #tpu.memory_space<vmem>> -> memref<1x80xi32, #tpu.memory_space<vmem>>
        %dma_start3A_185 = tpu.memref_squeeze %dma_start3A_184 : memref<1x80xi32, #tpu.memory_space<vmem>> -> memref<80xi32, #tpu.memory_space<vmem>>
        %dma_start3A_186 = arith.constant 0 : i32
        %dma_start3A_187 = tpu.memref_slice %arg14[%dma_start3A_186] : memref<10000xf32, #tpu.memory_space<vmem_shared>> -> memref<10000xf32, #tpu.memory_space<vmem_shared>>
        tpu.enqueue_indirect_dma source(%arg15 : memref<80xf32, #tpu.memory_space<vmem>>) target(%dma_start3A_187 : memref<10000xf32, #tpu.memory_space<vmem_shared>>) offsets(%dma_start3A_185 : memref<80xi32, #tpu.memory_space<vmem>>) semaphore(%run_scoped3A_182 : memref<!tpu.dma_semaphore, #tpu.memory_space<semaphore_mem>>) {add = true}
        %dma_wait3A_188 = arith.constant 0 : i32
        %dma_wait3A_189 = tpu.memref_slice %arg11[%add3A_143, %dma_wait3A_188] : memref<125x80xi32, #tpu.memory_space<vmem>> -> memref<1x80xi32, #tpu.memory_space<vmem>>
        %dma_wait3A_190 = tpu.memref_squeeze %dma_wait3A_189 : memref<1x80xi32, #tpu.memory_space<vmem>> -> memref<80xi32, #tpu.memory_space<vmem>>
        %dma_wait3A_191 = arith.constant 0 : i32
        %dma_wait3A_192 = tpu.memref_slice %arg14[%dma_wait3A_191] : memref<10000xf32, #tpu.memory_space<vmem_shared>> -> memref<10000xf32, #tpu.memory_space<vmem_shared>>
        tpu.wait_indirect_dma semaphore(%run_scoped3A_182 : memref<!tpu.dma_semaphore, #tpu.memory_space<semaphore_mem>>) src(%arg15 : memref<80xf32, #tpu.memory_space<vmem>>) dst(%dma_wait3A_192 : memref<10000xf32, #tpu.memory_space<vmem_shared>>)
        tpu.yield
      }) : () -> ()
      %lt3A_156 = arith.constant 24 : i32
      %lt3A_157 = arith.cmpi slt, %scan3A_79, %lt3A_156 : i32
      %convert_element_type3A_158 = arith.extui %lt3A_157 : i1 to i32
      %cond3A_159 = arith.constant 0 : i32
      %cond3A_160 = arith.cmpi ne, %convert_element_type3A_158, %cond3A_159 : i32
      scf.if %cond3A_160 {
        %add3A_182 = arith.constant 5 : i32
        %add3A_183 = arith.addi %add3A_143, %add3A_182 : i32
        %dma_start3A_184 = arith.constant 3 : i32
        %dma_start3A_185 = arith.constant 0 : i32
        %dma_start3A_186 = arith.constant 0 : i32
        %dma_start3A_187 = tpu.memref_slice %arg12[%dma_start3A_184, %dma_start3A_185, %dma_start3A_186] : memref<5x80x64xf32, #tpu.memory_space<vmem>> -> memref<1x80x64xf32, #tpu.memory_space<vmem>>
        %dma_start3A_188 = tpu.memref_squeeze %dma_start3A_187 : memref<1x80x64xf32, #tpu.memory_space<vmem>> -> memref<80x64xf32, #tpu.memory_space<vmem>>
        %dma_start3A_189 = arith.constant 0 : i32
        %dma_start3A_190 = tpu.memref_slice %arg10[%add3A_183, %dma_start3A_189] : memref<125x80xi32, #tpu.memory_space<vmem>> -> memref<1x80xi32, #tpu.memory_space<vmem>>
        %dma_start3A_191 = tpu.memref_squeeze %dma_start3A_190 : memref<1x80xi32, #tpu.memory_space<vmem>> -> memref<80xi32, #tpu.memory_space<vmem>>
        %dma_start3A_192 = arith.constant 0 : i32
        %dma_start3A_193 = arith.constant 0 : i32
        %dma_start3A_194 = tpu.memref_slice %arg2[%dma_start3A_192, %dma_start3A_193] : memref<10000x64xf32, #tpu.memory_space<hbm>> -> memref<10000x64xf32, #tpu.memory_space<hbm>>
        tpu.enqueue_indirect_dma source(%dma_start3A_194 : memref<10000x64xf32, #tpu.memory_space<hbm>>) target(%dma_start3A_188 : memref<80x64xf32, #tpu.memory_space<vmem>>) offsets(%dma_start3A_191 : memref<80xi32, #tpu.memory_space<vmem>>) semaphore(%arg19 : memref<!tpu.dma_semaphore, #tpu.memory_space<semaphore_mem>>)
      } else {
      }
      %mul3A_161 = arith.constant 5 : i32
      %mul3A_162 = arith.muli %scan3A_79, %mul3A_161 : i32
      %add3A_163 = arith.constant 4 : i32
      %add3A_164 = arith.addi %mul3A_162, %add3A_163 : i32
      %dma_wait3A_165 = arith.constant 4 : i32
      %dma_wait3A_166 = arith.constant 0 : i32
      %dma_wait3A_167 = arith.constant 0 : i32
      %dma_wait3A_168 = tpu.memref_slice %arg12[%dma_wait3A_165, %dma_wait3A_166, %dma_wait3A_167] : memref<5x80x64xf32, #tpu.memory_space<vmem>> -> memref<1x80x64xf32, #tpu.memory_space<vmem>>
      %dma_wait3A_169 = tpu.memref_squeeze %dma_wait3A_168 : memref<1x80x64xf32, #tpu.memory_space<vmem>> -> memref<80x64xf32, #tpu.memory_space<vmem>>
      %dma_wait3A_170 = arith.constant 0 : i32
      %dma_wait3A_171 = tpu.memref_slice %arg10[%add3A_164, %dma_wait3A_170] : memref<125x80xi32, #tpu.memory_space<vmem>> -> memref<1x80xi32, #tpu.memory_space<vmem>>
      %dma_wait3A_172 = tpu.memref_squeeze %dma_wait3A_171 : memref<1x80xi32, #tpu.memory_space<vmem>> -> memref<80xi32, #tpu.memory_space<vmem>>
      %dma_wait3A_173 = arith.constant 0 : i32
      %dma_wait3A_174 = arith.constant 0 : i32
      %dma_wait3A_175 = tpu.memref_slice %arg2[%dma_wait3A_173, %dma_wait3A_174] : memref<10000x64xf32, #tpu.memory_space<hbm>> -> memref<10000x64xf32, #tpu.memory_space<hbm>>
      tpu.wait_indirect_dma semaphore(%arg20 : memref<!tpu.dma_semaphore, #tpu.memory_space<semaphore_mem>>) src(%dma_wait3A_175 : memref<10000x64xf32, #tpu.memory_space<hbm>>) dst(%dma_wait3A_169 : memref<80x64xf32, #tpu.memory_space<vmem>>)
      %run_scoped3A_176 = arith.constant 4 : i32
      "tpu.region"() ({
        %run_scoped3A_182 = tpu.sem_alloc : memref<!tpu.dma_semaphore, #tpu.memory_space<semaphore_mem>>
        %dma_start3A_183 = arith.constant 0 : i32
        %dma_start3A_184 = arith.constant 0 : i32
        %dma_start3A_185 = tpu.memref_slice %arg12[%run_scoped3A_176, %dma_start3A_183, %dma_start3A_184] : memref<5x80x64xf32, #tpu.memory_space<vmem>> -> memref<1x80x64xf32, #tpu.memory_space<vmem>>
        %dma_start3A_186 = tpu.memref_squeeze %dma_start3A_185 : memref<1x80x64xf32, #tpu.memory_space<vmem>> -> memref<80x64xf32, #tpu.memory_space<vmem>>
        %dma_start3A_187 = arith.constant 0 : i32
        %dma_start3A_188 = tpu.memref_slice %arg11[%add3A_164, %dma_start3A_187] : memref<125x80xi32, #tpu.memory_space<vmem>> -> memref<1x80xi32, #tpu.memory_space<vmem>>
        %dma_start3A_189 = tpu.memref_squeeze %dma_start3A_188 : memref<1x80xi32, #tpu.memory_space<vmem>> -> memref<80xi32, #tpu.memory_space<vmem>>
        %dma_start3A_190 = arith.constant 0 : i32
        %dma_start3A_191 = arith.constant 0 : i32
        %dma_start3A_192 = tpu.memref_slice %arg13[%dma_start3A_190, %dma_start3A_191] : memref<10000x64xf32, #tpu.memory_space<vmem_shared>> -> memref<10000x64xf32, #tpu.memory_space<vmem_shared>>
        tpu.enqueue_indirect_dma source(%dma_start3A_186 : memref<80x64xf32, #tpu.memory_space<vmem>>) target(%dma_start3A_192 : memref<10000x64xf32, #tpu.memory_space<vmem_shared>>) offsets(%dma_start3A_189 : memref<80xi32, #tpu.memory_space<vmem>>) semaphore(%run_scoped3A_182 : memref<!tpu.dma_semaphore, #tpu.memory_space<semaphore_mem>>) {add = true}
        %dma_wait3A_193 = arith.constant 0 : i32
        %dma_wait3A_194 = arith.constant 0 : i32
        %dma_wait3A_195 = tpu.memref_slice %arg12[%run_scoped3A_176, %dma_wait3A_193, %dma_wait3A_194] : memref<5x80x64xf32, #tpu.memory_space<vmem>> -> memref<1x80x64xf32, #tpu.memory_space<vmem>>
        %dma_wait3A_196 = tpu.memref_squeeze %dma_wait3A_195 : memref<1x80x64xf32, #tpu.memory_space<vmem>> -> memref<80x64xf32, #tpu.memory_space<vmem>>
        %dma_wait3A_197 = arith.constant 0 : i32
        %dma_wait3A_198 = tpu.memref_slice %arg11[%add3A_164, %dma_wait3A_197] : memref<125x80xi32, #tpu.memory_space<vmem>> -> memref<1x80xi32, #tpu.memory_space<vmem>>
        %dma_wait3A_199 = tpu.memref_squeeze %dma_wait3A_198 : memref<1x80xi32, #tpu.memory_space<vmem>> -> memref<80xi32, #tpu.memory_space<vmem>>
        %dma_wait3A_200 = arith.constant 0 : i32
        %dma_wait3A_201 = arith.constant 0 : i32
        %dma_wait3A_202 = tpu.memref_slice %arg13[%dma_wait3A_200, %dma_wait3A_201] : memref<10000x64xf32, #tpu.memory_space<vmem_shared>> -> memref<10000x64xf32, #tpu.memory_space<vmem_shared>>
        tpu.wait_indirect_dma semaphore(%run_scoped3A_182 : memref<!tpu.dma_semaphore, #tpu.memory_space<semaphore_mem>>) src(%dma_wait3A_196 : memref<80x64xf32, #tpu.memory_space<vmem>>) dst(%dma_wait3A_202 : memref<10000x64xf32, #tpu.memory_space<vmem_shared>>)
        tpu.yield
      }) : () -> ()
      "tpu.region"() ({
        %run_scoped3A_182 = tpu.sem_alloc : memref<!tpu.dma_semaphore, #tpu.memory_space<semaphore_mem>>
        %dma_start3A_183 = arith.constant 0 : i32
        %dma_start3A_184 = tpu.memref_slice %arg11[%add3A_164, %dma_start3A_183] : memref<125x80xi32, #tpu.memory_space<vmem>> -> memref<1x80xi32, #tpu.memory_space<vmem>>
        %dma_start3A_185 = tpu.memref_squeeze %dma_start3A_184 : memref<1x80xi32, #tpu.memory_space<vmem>> -> memref<80xi32, #tpu.memory_space<vmem>>
        %dma_start3A_186 = arith.constant 0 : i32
        %dma_start3A_187 = tpu.memref_slice %arg14[%dma_start3A_186] : memref<10000xf32, #tpu.memory_space<vmem_shared>> -> memref<10000xf32, #tpu.memory_space<vmem_shared>>
        tpu.enqueue_indirect_dma source(%arg15 : memref<80xf32, #tpu.memory_space<vmem>>) target(%dma_start3A_187 : memref<10000xf32, #tpu.memory_space<vmem_shared>>) offsets(%dma_start3A_185 : memref<80xi32, #tpu.memory_space<vmem>>) semaphore(%run_scoped3A_182 : memref<!tpu.dma_semaphore, #tpu.memory_space<semaphore_mem>>) {add = true}
        %dma_wait3A_188 = arith.constant 0 : i32
        %dma_wait3A_189 = tpu.memref_slice %arg11[%add3A_164, %dma_wait3A_188] : memref<125x80xi32, #tpu.memory_space<vmem>> -> memref<1x80xi32, #tpu.memory_space<vmem>>
        %dma_wait3A_190 = tpu.memref_squeeze %dma_wait3A_189 : memref<1x80xi32, #tpu.memory_space<vmem>> -> memref<80xi32, #tpu.memory_space<vmem>>
        %dma_wait3A_191 = arith.constant 0 : i32
        %dma_wait3A_192 = tpu.memref_slice %arg14[%dma_wait3A_191] : memref<10000xf32, #tpu.memory_space<vmem_shared>> -> memref<10000xf32, #tpu.memory_space<vmem_shared>>
        tpu.wait_indirect_dma semaphore(%run_scoped3A_182 : memref<!tpu.dma_semaphore, #tpu.memory_space<semaphore_mem>>) src(%arg15 : memref<80xf32, #tpu.memory_space<vmem>>) dst(%dma_wait3A_192 : memref<10000xf32, #tpu.memory_space<vmem_shared>>)
        tpu.yield
      }) : () -> ()
      %lt3A_177 = arith.constant 24 : i32
      %lt3A_178 = arith.cmpi slt, %scan3A_79, %lt3A_177 : i32
      %convert_element_type3A_179 = arith.extui %lt3A_178 : i1 to i32
      %cond3A_180 = arith.constant 0 : i32
      %cond3A_181 = arith.cmpi ne, %convert_element_type3A_179, %cond3A_180 : i32
      scf.if %cond3A_181 {
        %add3A_182 = arith.constant 5 : i32
        %add3A_183 = arith.addi %add3A_164, %add3A_182 : i32
        %dma_start3A_184 = arith.constant 4 : i32
        %dma_start3A_185 = arith.constant 0 : i32
        %dma_start3A_186 = arith.constant 0 : i32
        %dma_start3A_187 = tpu.memref_slice %arg12[%dma_start3A_184, %dma_start3A_185, %dma_start3A_186] : memref<5x80x64xf32, #tpu.memory_space<vmem>> -> memref<1x80x64xf32, #tpu.memory_space<vmem>>
        %dma_start3A_188 = tpu.memref_squeeze %dma_start3A_187 : memref<1x80x64xf32, #tpu.memory_space<vmem>> -> memref<80x64xf32, #tpu.memory_space<vmem>>
        %dma_start3A_189 = arith.constant 0 : i32
        %dma_start3A_190 = tpu.memref_slice %arg10[%add3A_183, %dma_start3A_189] : memref<125x80xi32, #tpu.memory_space<vmem>> -> memref<1x80xi32, #tpu.memory_space<vmem>>
        %dma_start3A_191 = tpu.memref_squeeze %dma_start3A_190 : memref<1x80xi32, #tpu.memory_space<vmem>> -> memref<80xi32, #tpu.memory_space<vmem>>
        %dma_start3A_192 = arith.constant 0 : i32
        %dma_start3A_193 = arith.constant 0 : i32
        %dma_start3A_194 = tpu.memref_slice %arg2[%dma_start3A_192, %dma_start3A_193] : memref<10000x64xf32, #tpu.memory_space<hbm>> -> memref<10000x64xf32, #tpu.memory_space<hbm>>
        tpu.enqueue_indirect_dma source(%dma_start3A_194 : memref<10000x64xf32, #tpu.memory_space<hbm>>) target(%dma_start3A_188 : memref<80x64xf32, #tpu.memory_space<vmem>>) offsets(%dma_start3A_191 : memref<80xi32, #tpu.memory_space<vmem>>) semaphore(%arg20 : memref<!tpu.dma_semaphore, #tpu.memory_space<semaphore_mem>>)
      } else {
      }
    }
    %scan3A_68 = arith.constant 25 : i32
    %barrier3A_69 = arith.constant 0 : index
    tpu.barrier barrier_id(%barrier3A_69)
    %mul3A_70 = arith.constant 625 : i32
    %mul3A_71 = arith.muli %arg1, %mul3A_70 : i32
    %mul3A_72 = arith.constant 625 : i32
    %mul3A_73 = arith.muli %arg1, %mul3A_72 : i32
    "tpu.region"() ({
      %run_scoped3A = tpu.sem_alloc : memref<!tpu.dma_semaphore, #tpu.memory_space<semaphore_mem>>
      %dma_start3A_79 = arith.constant 0 : i32
      %dma_start3A_80 = tpu.memref_slice %arg8[%arg0, %mul3A_73, %dma_start3A_79] : memref<2x10000x64xf32, #tpu.memory_space<hbm>> -> memref<1x625x64xf32, #tpu.memory_space<hbm>>
      %dma_start3A_81 = tpu.memref_squeeze %dma_start3A_80 : memref<1x625x64xf32, #tpu.memory_space<hbm>> -> memref<625x64xf32, #tpu.memory_space<hbm>>
      %dma_start3A_82 = arith.constant 0 : i32
      %dma_start3A_83 = tpu.memref_slice %arg13[%mul3A_71, %dma_start3A_82] : memref<10000x64xf32, #tpu.memory_space<vmem_shared>> -> memref<625x64xf32, #tpu.memory_space<vmem_shared>>
      tpu.enqueue_dma source(%dma_start3A_83 : memref<625x64xf32, #tpu.memory_space<vmem_shared>>) target(%dma_start3A_81 : memref<625x64xf32, #tpu.memory_space<hbm>>) target_semaphore(%run_scoped3A : memref<!tpu.dma_semaphore, #tpu.memory_space<semaphore_mem>>)
      %dma_wait3A = arith.constant 0 : i32
      %dma_wait3A_84 = tpu.memref_slice %arg8[%arg0, %mul3A_73, %dma_wait3A] : memref<2x10000x64xf32, #tpu.memory_space<hbm>> -> memref<1x625x64xf32, #tpu.memory_space<hbm>>
      %dma_wait3A_85 = tpu.memref_squeeze %dma_wait3A_84 : memref<1x625x64xf32, #tpu.memory_space<hbm>> -> memref<625x64xf32, #tpu.memory_space<hbm>>
      %dma_wait3A_86 = arith.constant 0 : i32
      %dma_wait3A_87 = tpu.memref_slice %arg13[%mul3A_71, %dma_wait3A_86] : memref<10000x64xf32, #tpu.memory_space<vmem_shared>> -> memref<625x64xf32, #tpu.memory_space<vmem_shared>>
      tpu.wait_dma2 semaphore(%run_scoped3A : memref<!tpu.dma_semaphore, #tpu.memory_space<semaphore_mem>>) src(%dma_wait3A_87 : memref<625x64xf32, #tpu.memory_space<vmem_shared>>) dst(%dma_wait3A_85 : memref<625x64xf32, #tpu.memory_space<hbm>>)
      tpu.yield
    }) : () -> ()
    %eq3A_74 = arith.constant 0 : i32
    %eq3A_75 = arith.cmpi eq, %arg1, %eq3A_74 : i32
    %convert_element_type3A_76 = arith.extui %eq3A_75 : i1 to i32
    %cond3A_77 = arith.constant 0 : i32
    %cond3A_78 = arith.cmpi ne, %convert_element_type3A_76, %cond3A_77 : i32
    scf.if %cond3A_78 {
      "tpu.region"() ({
        %run_scoped3A = tpu.sem_alloc : memref<!tpu.dma_semaphore, #tpu.memory_space<semaphore_mem>>
        %dma_start3A_79 = arith.constant 0 : i32
        %dma_start3A_80 = tpu.memref_slice %arg9[%arg0, %dma_start3A_79] : memref<2x10000xf32, #tpu.memory_space<hbm>> -> memref<1x10000xf32, #tpu.memory_space<hbm>>
        %dma_start3A_81 = tpu.memref_squeeze %dma_start3A_80 : memref<1x10000xf32, #tpu.memory_space<hbm>> -> memref<10000xf32, #tpu.memory_space<hbm>>
        tpu.enqueue_dma source(%arg14 : memref<10000xf32, #tpu.memory_space<vmem_shared>>) target(%dma_start3A_81 : memref<10000xf32, #tpu.memory_space<hbm>>) target_semaphore(%run_scoped3A : memref<!tpu.dma_semaphore, #tpu.memory_space<semaphore_mem>>)
        %dma_wait3A = arith.constant 0 : i32
        %dma_wait3A_82 = tpu.memref_slice %arg9[%arg0, %dma_wait3A] : memref<2x10000xf32, #tpu.memory_space<hbm>> -> memref<1x10000xf32, #tpu.memory_space<hbm>>
        %dma_wait3A_83 = tpu.memref_squeeze %dma_wait3A_82 : memref<1x10000xf32, #tpu.memory_space<hbm>> -> memref<10000xf32, #tpu.memory_space<hbm>>
        tpu.wait_dma2 semaphore(%run_scoped3A : memref<!tpu.dma_semaphore, #tpu.memory_space<semaphore_mem>>) src(%arg14 : memref<10000xf32, #tpu.memory_space<vmem_shared>>) dst(%dma_wait3A_83 : memref<10000xf32, #tpu.memory_space<hbm>>)
        tpu.yield
      }) : () -> ()
    } else {
    }
    return
  }
}

module attributes {stable_mosaic.version = 14 : i64} {
  func.func @_proj_body(%arg0: i32, %arg1: memref<1000x128xf32, #tpu.memory_space<vmem>>, %arg2: memref<64x128xf32, #tpu.memory_space<vmem>>, %arg3: memref<1x64xf32, #tpu.memory_space<vmem>>, %arg4: memref<1000x64xf32, #tpu.memory_space<vmem>>) attributes {dimension_semantics = [#tpu.dimension_semantics<arbitrary>], iteration_bounds = array<i64: 10>, scalar_prefetch = 0 : i64, scratch_operands = 0 : i64, tpu.core_type = #tpu.core_type<tc>, window_params = [{transform_indices = @transform_0, window_bounds = array<i64: 1000, 128>}, {pipeline_mode = #tpu.pipeline_mode<synchronous>, transform_indices = @transform_1, window_bounds = array<i64: 64, 128>}, {pipeline_mode = #tpu.pipeline_mode<synchronous>, transform_indices = @transform_2, window_bounds = array<i64: 1, 64>}, {transform_indices = @transform_3, window_bounds = array<i64: 1000, 64>}]} {
    %get3A = arith.constant 0 : index
    %get3A_0 = arith.constant 0 : index
    %get3A_1 = vector.load %arg1[%get3A, %get3A_0] : memref<1000x128xf32, #tpu.memory_space<vmem>>, vector<1000x128xf32>
    %get3A_2 = arith.constant 0 : index
    %get3A_3 = arith.constant 0 : index
    %get3A_4 = vector.load %arg2[%get3A_2, %get3A_3] : memref<64x128xf32, #tpu.memory_space<vmem>>, vector<64x128xf32>
    %dot_general3A = arith.constant dense<0.000000e+00> : vector<1000x64xf32>
    %dot_general3A_5 = tpu.matmul %get3A_1, %get3A_4, %dot_general3A {dimension_numbers = #tpu.dot_dimension_numbers<[1], [1], [0], [0], [0, 0, 1, 0], [], []>, transpose_lhs_hint = false} : vector<1000x128xf32>, vector<64x128xf32>, vector<1000x64xf32> -> vector<1000x64xf32>
    %get3A_6 = arith.constant 0 : index
    %get3A_7 = arith.constant 0 : index
    %get3A_8 = vector.load %arg3[%get3A_6, %get3A_7] : memref<1x64xf32, #tpu.memory_space<vmem>>, vector<1x64xf32>
    %add3A = vector.broadcast %get3A_8 : vector<1x64xf32> to vector<1000x64xf32>
    %add3A_9 = arith.addf %dot_general3A_5, %add3A : vector<1000x64xf32>
    %max3A = arith.constant 0.000000e+00 : f32
    %max3A_10 = vector.broadcast %max3A : f32 to vector<1000x64xf32>
    %max3A_11 = arith.maximumf %add3A_9, %max3A_10 : vector<1000x64xf32>
    %swap3A = arith.constant 0 : index
    %swap3A_12 = arith.constant 0 : index
    %swap3A_13 = vector.load %arg4[%swap3A, %swap3A_12] : memref<1000x64xf32, #tpu.memory_space<vmem>>, vector<1000x64xf32>
    tpu.vector_store %arg4[%swap3A, %swap3A_12], %max3A_11 {strides = array<i32>} : memref<1000x64xf32, #tpu.memory_space<vmem>>, vector<1000x64xf32>,
    return
  }
  func.func @transform_0(%arg0: i32) -> (i32, i32) {
    %c0_i32 = arith.constant 0 : i32
    %c0_i32_0 = arith.constant 0 : i32
    return %arg0, %c0_i32 : i32, i32
  }
  func.func @transform_1(%arg0: i32) -> (i32, i32) {
    %c0_i32 = arith.constant 0 : i32
    %c0_i32_0 = arith.constant 0 : i32
    %c0_i32_1 = arith.constant 0 : i32
    return %c0_i32, %c0_i32_0 : i32, i32
  }
  func.func @transform_2(%arg0: i32) -> (i32, i32) {
    %c0_i32 = arith.constant 0 : i32
    %c0_i32_0 = arith.constant 0 : i32
    %c0_i32_1 = arith.constant 0 : i32
    return %c0_i32, %c0_i32_0 : i32, i32
  }
  func.func @transform_3(%arg0: i32) -> (i32, i32) {
    %c0_i32 = arith.constant 0 : i32
    %c0_i32_0 = arith.constant 0 : i32
    return %arg0, %c0_i32 : i32, i32
  }
}

module attributes {stable_mosaic.version = 14 : i64} {
  func.func @_h1_body(%arg0: i32, %arg1: memref<2x1000x64xf32, #tpu.memory_space<vmem>>, %arg2: memref<2x1000x1xf32, #tpu.memory_space<vmem>>, %arg3: memref<1000x64xf32, #tpu.memory_space<vmem>>, %arg4: memref<256x64xf32, #tpu.memory_space<vmem>>, %arg5: memref<1x256xf32, #tpu.memory_space<vmem>>, %arg6: memref<256x64xf32, #tpu.memory_space<vmem>>, %arg7: memref<1000x128xf32, #tpu.memory_space<vmem>>, %arg8: memref<1000x128xf32, #tpu.memory_space<vmem>>) attributes {dimension_semantics = [#tpu.dimension_semantics<arbitrary>], iteration_bounds = array<i64: 10>, scalar_prefetch = 0 : i64, scratch_operands = 0 : i64, tpu.core_type = #tpu.core_type<tc>, window_params = [{transform_indices = @transform_0, window_bounds = array<i64: 2, 1000, 64>}, {transform_indices = @transform_1, window_bounds = array<i64: 2, 1000, 1>}, {transform_indices = @transform_2, window_bounds = array<i64: 1000, 64>}, {pipeline_mode = #tpu.pipeline_mode<synchronous>, transform_indices = @transform_3, window_bounds = array<i64: 256, 64>}, {pipeline_mode = #tpu.pipeline_mode<synchronous>, transform_indices = @transform_4, window_bounds = array<i64: 1, 256>}, {pipeline_mode = #tpu.pipeline_mode<synchronous>, transform_indices = @transform_5, window_bounds = array<i64: 256, 64>}, {transform_indices = @transform_6, window_bounds = array<i64: 1000, 128>}, {transform_indices = @transform_7, window_bounds = array<i64: 1000, 128>}]} {
    %get3A = arith.constant 0 : index
    %get3A_0 = arith.constant 0 : index
    %get3A_1 = arith.constant 0 : index
    %get3A_2 = vector.load %arg2[%get3A, %get3A_0, %get3A_1] : memref<2x1000x1xf32, #tpu.memory_space<vmem>>, vector<1x1000x1xf32>
    %get3A_3 = vector.shape_cast %get3A_2 : vector<1x1000x1xf32> to vector<1000x1xf32>
    %get3A_4 = arith.constant 1 : index
    %get3A_5 = arith.constant 0 : index
    %get3A_6 = arith.constant 0 : index
    %get3A_7 = vector.load %arg2[%get3A_4, %get3A_5, %get3A_6] : memref<2x1000x1xf32, #tpu.memory_space<vmem>>, vector<1x1000x1xf32>
    %get3A_8 = vector.shape_cast %get3A_7 : vector<1x1000x1xf32> to vector<1000x1xf32>
    %add3A = arith.addf %get3A_3, %get3A_8 : vector<1000x1xf32>
    %get3A_9 = arith.constant 0 : index
    %get3A_10 = arith.constant 0 : index
    %get3A_11 = arith.constant 0 : index
    %get3A_12 = vector.load %arg1[%get3A_9, %get3A_10, %get3A_11] : memref<2x1000x64xf32, #tpu.memory_space<vmem>>, vector<1x1000x64xf32>
    %get3A_13 = vector.shape_cast %get3A_12 : vector<1x1000x64xf32> to vector<1000x64xf32>
    %get3A_14 = arith.constant 1 : index
    %get3A_15 = arith.constant 0 : index
    %get3A_16 = arith.constant 0 : index
    %get3A_17 = vector.load %arg1[%get3A_14, %get3A_15, %get3A_16] : memref<2x1000x64xf32, #tpu.memory_space<vmem>>, vector<1x1000x64xf32>
    %get3A_18 = vector.shape_cast %get3A_17 : vector<1x1000x64xf32> to vector<1000x64xf32>
    %add3A_19 = arith.addf %get3A_13, %get3A_18 : vector<1000x64xf32>
    %max3A = arith.constant 1.000000e+00 : f32
    %max3A_20 = vector.broadcast %max3A : f32 to vector<1000x1xf32>
    %max3A_21 = arith.maximumf %add3A, %max3A_20 : vector<1000x1xf32>
    %div3A = vector.broadcast %max3A_21 : vector<1000x1xf32> to vector<1000x64xf32>
    %div3A_22 = arith.divf %add3A_19, %div3A : vector<1000x64xf32>
    %get3A_23 = arith.constant 0 : index
    %get3A_24 = arith.constant 0 : index
    %get3A_25 = vector.load %arg4[%get3A_23, %get3A_24] : memref<256x64xf32, #tpu.memory_space<vmem>>, vector<256x64xf32>
    %dot_general3A = arith.constant dense<0.000000e+00> : vector<1000x256xf32>
    %dot_general3A_26 = tpu.matmul %div3A_22, %get3A_25, %dot_general3A {dimension_numbers = #tpu.dot_dimension_numbers<[1], [1], [0], [0], [0, 0, 1, 0], [], []>, transpose_lhs_hint = false} : vector<1000x64xf32>, vector<256x64xf32>, vector<1000x256xf32> -> vector<1000x256xf32>
    %get3A_27 = arith.constant 0 : index
    %get3A_28 = arith.constant 0 : index
    %get3A_29 = vector.load %arg5[%get3A_27, %get3A_28] : memref<1x256xf32, #tpu.memory_space<vmem>>, vector<1x256xf32>
    %add3A_30 = vector.broadcast %get3A_29 : vector<1x256xf32> to vector<1000x256xf32>
    %add3A_31 = arith.addf %dot_general3A_26, %add3A_30 : vector<1000x256xf32>
    %get3A_32 = arith.constant 0 : index
    %get3A_33 = arith.constant 0 : index
    %get3A_34 = vector.load %arg3[%get3A_32, %get3A_33] : memref<1000x64xf32, #tpu.memory_space<vmem>>, vector<1000x64xf32>
    %get3A_35 = arith.constant 0 : index
    %get3A_36 = arith.constant 0 : index
    %get3A_37 = vector.load %arg6[%get3A_35, %get3A_36] : memref<256x64xf32, #tpu.memory_space<vmem>>, vector<256x64xf32>
    %dot_general3A_38 = arith.constant dense<0.000000e+00> : vector<1000x256xf32>
    %dot_general3A_39 = tpu.matmul %get3A_34, %get3A_37, %dot_general3A_38 {dimension_numbers = #tpu.dot_dimension_numbers<[1], [1], [0], [0], [0, 0, 1, 0], [], []>, transpose_lhs_hint = false} : vector<1000x64xf32>, vector<256x64xf32>, vector<1000x256xf32> -> vector<1000x256xf32>
    %add3A_40 = arith.addf %add3A_31, %dot_general3A_39 : vector<1000x256xf32>
    %max3A_41 = arith.constant 0.000000e+00 : f32
    %max3A_42 = vector.broadcast %max3A_41 : f32 to vector<1000x256xf32>
    %max3A_43 = arith.maximumf %add3A_40, %max3A_42 : vector<1000x256xf32>
    %slice3A = vector.extract_strided_slice %max3A_43 {offsets = [0, 0], sizes = [1000, 128], strides = [1, 1]} : vector<1000x256xf32> to vector<1000x128xf32>
    %swap3A = arith.constant 0 : index
    %swap3A_44 = arith.constant 0 : index
    %swap3A_45 = vector.load %arg7[%swap3A, %swap3A_44] : memref<1000x128xf32, #tpu.memory_space<vmem>>, vector<1000x128xf32>
    tpu.vector_store %arg7[%swap3A, %swap3A_44], %slice3A {strides = array<i32>} : memref<1000x128xf32, #tpu.memory_space<vmem>>, vector<1000x128xf32>,
    %slice3A_46 = vector.extract_strided_slice %max3A_43 {offsets = [0, 128], sizes = [1000, 128], strides = [1, 1]} : vector<1000x256xf32> to vector<1000x128xf32>
    %swap3A_47 = arith.constant 0 : index
    %swap3A_48 = arith.constant 0 : index
    %swap3A_49 = vector.load %arg8[%swap3A_47, %swap3A_48] : memref<1000x128xf32, #tpu.memory_space<vmem>>, vector<1000x128xf32>
    tpu.vector_store %arg8[%swap3A_47, %swap3A_48], %slice3A_46 {strides = array<i32>} : memref<1000x128xf32, #tpu.memory_space<vmem>>, vector<1000x128xf32>,
    return
  }
  func.func @transform_0(%arg0: i32) -> (i32, i32, i32) {
    %c0_i32 = arith.constant 0 : i32
    %c0_i32_0 = arith.constant 0 : i32
    %c0_i32_1 = arith.constant 0 : i32
    return %c0_i32, %arg0, %c0_i32_0 : i32, i32, i32
  }
  func.func @transform_1(%arg0: i32) -> (i32, i32, i32) {
    %c0_i32 = arith.constant 0 : i32
    %c0_i32_0 = arith.constant 0 : i32
    %c0_i32_1 = arith.constant 0 : i32
    return %c0_i32, %arg0, %c0_i32_0 : i32, i32, i32
  }
  func.func @transform_2(%arg0: i32) -> (i32, i32) {
    %c0_i32 = arith.constant 0 : i32
    %c0_i32_0 = arith.constant 0 : i32
    return %arg0, %c0_i32 : i32, i32
  }
  func.func @transform_3(%arg0: i32) -> (i32, i32) {
    %c0_i32 = arith.constant 0 : i32
    %c0_i32_0 = arith.constant 0 : i32
    %c0_i32_1 = arith.constant 0 : i32
    return %c0_i32, %c0_i32_0 : i32, i32
  }
  func.func @transform_4(%arg0: i32) -> (i32, i32) {
    %c0_i32 = arith.constant 0 : i32
    %c0_i32_0 = arith.constant 0 : i32
    %c0_i32_1 = arith.constant 0 : i32
    return %c0_i32, %c0_i32_0 : i32, i32
  }
  func.func @transform_5(%arg0: i32) -> (i32, i32) {
    %c0_i32 = arith.constant 0 : i32
    %c0_i32_0 = arith.constant 0 : i32
    %c0_i32_1 = arith.constant 0 : i32
    return %c0_i32, %c0_i32_0 : i32, i32
  }
  func.func @transform_6(%arg0: i32) -> (i32, i32) {
    %c0_i32 = arith.constant 0 : i32
    %c0_i32_0 = arith.constant 0 : i32
    return %arg0, %c0_i32 : i32, i32
  }
  func.func @transform_7(%arg0: i32) -> (i32, i32) {
    %c0_i32 = arith.constant 0 : i32
    %c0_i32_0 = arith.constant 0 : i32
    return %arg0, %c0_i32 : i32, i32
  }
}

module attributes {stable_mosaic.version = 14 : i64} {
  func.func @_out_body(%arg0: i32, %arg1: memref<2x1000x128xf32, #tpu.memory_space<vmem>>, %arg2: memref<2x1000x128xf32, #tpu.memory_space<vmem>>, %arg3: memref<2x1000x1xf32, #tpu.memory_space<vmem>>, %arg4: memref<1000x128xf32, #tpu.memory_space<vmem>>, %arg5: memref<1000x128xf32, #tpu.memory_space<vmem>>, %arg6: memref<256x256xf32, #tpu.memory_space<vmem>>, %arg7: memref<256x256xf32, #tpu.memory_space<vmem>>, %arg8: memref<1x256xf32, #tpu.memory_space<vmem>>, %arg9: memref<256x512xf32, #tpu.memory_space<vmem>>, %arg10: memref<1x256xf32, #tpu.memory_space<vmem>>, %arg11: memref<2x256xf32, #tpu.memory_space<vmem>>, %arg12: memref<1x2xf32, #tpu.memory_space<vmem>>, %arg13: memref<1000x2xf32, #tpu.memory_space<vmem>>) attributes {dimension_semantics = [#tpu.dimension_semantics<arbitrary>], iteration_bounds = array<i64: 10>, scalar_prefetch = 0 : i64, scratch_operands = 0 : i64, tpu.core_type = #tpu.core_type<tc>, window_params = [{transform_indices = @transform_0, window_bounds = array<i64: 2, 1000, 128>}, {transform_indices = @transform_1, window_bounds = array<i64: 2, 1000, 128>}, {transform_indices = @transform_2, window_bounds = array<i64: 2, 1000, 1>}, {transform_indices = @transform_3, window_bounds = array<i64: 1000, 128>}, {transform_indices = @transform_4, window_bounds = array<i64: 1000, 128>}, {pipeline_mode = #tpu.pipeline_mode<synchronous>, transform_indices = @transform_5, window_bounds = array<i64: 256, 256>}, {pipeline_mode = #tpu.pipeline_mode<synchronous>, transform_indices = @transform_6, window_bounds = array<i64: 256, 256>}, {pipeline_mode = #tpu.pipeline_mode<synchronous>, transform_indices = @transform_7, window_bounds = array<i64: 1, 256>}, {pipeline_mode = #tpu.pipeline_mode<synchronous>, transform_indices = @transform_8, window_bounds = array<i64: 256, 512>}, {pipeline_mode = #tpu.pipeline_mode<synchronous>, transform_indices = @transform_9, window_bounds = array<i64: 1, 256>}, {pipeline_mode = #tpu.pipeline_mode<synchronous>, transform_indices = @transform_10, window_bounds = array<i64: 2, 256>}, {pipeline_mode = #tpu.pipeline_mode<synchronous>, transform_indices = @transform_11, window_bounds = array<i64: 1, 2>}, {transform_indices = @transform_12, window_bounds = array<i64: 1000, 2>}]} {
    %get3A = arith.constant 0 : index
    %get3A_0 = arith.constant 0 : index
    %get3A_1 = arith.constant 0 : index
    %get3A_2 = vector.load %arg3[%get3A, %get3A_0, %get3A_1] : memref<2x1000x1xf32, #tpu.memory_space<vmem>>, vector<1x1000x1xf32>
    %get3A_3 = vector.shape_cast %get3A_2 : vector<1x1000x1xf32> to vector<1000x1xf32>
    %get3A_4 = arith.constant 1 : index
    %get3A_5 = arith.constant 0 : index
    %get3A_6 = arith.constant 0 : index
    %get3A_7 = vector.load %arg3[%get3A_4, %get3A_5, %get3A_6] : memref<2x1000x1xf32, #tpu.memory_space<vmem>>, vector<1x1000x1xf32>
    %get3A_8 = vector.shape_cast %get3A_7 : vector<1x1000x1xf32> to vector<1000x1xf32>
    %add3A = arith.addf %get3A_3, %get3A_8 : vector<1000x1xf32>
    %max3A = arith.constant 1.000000e+00 : f32
    %max3A_9 = vector.broadcast %max3A : f32 to vector<1000x1xf32>
    %max3A_10 = arith.maximumf %add3A, %max3A_9 : vector<1000x1xf32>
    %div3A = arith.constant 1.000000e+00 : f32
    %div3A_11 = vector.broadcast %div3A : f32 to vector<1000x1xf32>
    %div3A_12 = arith.divf %div3A_11, %max3A_10 : vector<1000x1xf32>
    %get3A_13 = arith.constant 0 : index
    %get3A_14 = arith.constant 0 : index
    %get3A_15 = arith.constant 0 : index
    %get3A_16 = vector.load %arg1[%get3A_13, %get3A_14, %get3A_15] : memref<2x1000x128xf32, #tpu.memory_space<vmem>>, vector<1x1000x128xf32>
    %get3A_17 = vector.shape_cast %get3A_16 : vector<1x1000x128xf32> to vector<1000x128xf32>
    %get3A_18 = arith.constant 1 : index
    %get3A_19 = arith.constant 0 : index
    %get3A_20 = arith.constant 0 : index
    %get3A_21 = vector.load %arg1[%get3A_18, %get3A_19, %get3A_20] : memref<2x1000x128xf32, #tpu.memory_space<vmem>>, vector<1x1000x128xf32>
    %get3A_22 = vector.shape_cast %get3A_21 : vector<1x1000x128xf32> to vector<1000x128xf32>
    %add3A_23 = arith.addf %get3A_17, %get3A_22 : vector<1000x128xf32>
    %mul3A = vector.broadcast %div3A_12 : vector<1000x1xf32> to vector<1000x128xf32>
    %mul3A_24 = arith.mulf %add3A_23, %mul3A : vector<1000x128xf32>
    %get3A_25 = arith.constant 0 : index
    %get3A_26 = arith.constant 0 : index
    %get3A_27 = arith.constant 0 : index
    %get3A_28 = vector.load %arg2[%get3A_25, %get3A_26, %get3A_27] : memref<2x1000x128xf32, #tpu.memory_space<vmem>>, vector<1x1000x128xf32>
    %get3A_29 = vector.shape_cast %get3A_28 : vector<1x1000x128xf32> to vector<1000x128xf32>
    %get3A_30 = arith.constant 1 : index
    %get3A_31 = arith.constant 0 : index
    %get3A_32 = arith.constant 0 : index
    %get3A_33 = vector.load %arg2[%get3A_30, %get3A_31, %get3A_32] : memref<2x1000x128xf32, #tpu.memory_space<vmem>>, vector<1x1000x128xf32>
    %get3A_34 = vector.shape_cast %get3A_33 : vector<1x1000x128xf32> to vector<1000x128xf32>
    %add3A_35 = arith.addf %get3A_29, %get3A_34 : vector<1000x128xf32>
    %mul3A_36 = vector.broadcast %div3A_12 : vector<1000x1xf32> to vector<1000x128xf32>
    %mul3A_37 = arith.mulf %add3A_35, %mul3A_36 : vector<1000x128xf32>
    %get3A_38 = arith.constant 0 : index
    %get3A_39 = arith.constant 0 : index
    %get3A_40 = vector.load %arg6[%get3A_38, %get3A_39] : memref<256x256xf32, #tpu.memory_space<vmem>>, vector<256x128xf32>
    %dot_general3A = arith.constant dense<0.000000e+00> : vector<1000x256xf32>
    %dot_general3A_41 = tpu.matmul %mul3A_24, %get3A_40, %dot_general3A {dimension_numbers = #tpu.dot_dimension_numbers<[1], [1], [0], [0], [0, 0, 1, 0], [], []>, transpose_lhs_hint = false} : vector<1000x128xf32>, vector<256x128xf32>, vector<1000x256xf32> -> vector<1000x256xf32>
    %get3A_42 = arith.constant 0 : index
    %get3A_43 = arith.constant 128 : index
    %get3A_44 = vector.load %arg6[%get3A_42, %get3A_43] : memref<256x256xf32, #tpu.memory_space<vmem>>, vector<256x128xf32>
    %dot_general3A_45 = arith.constant dense<0.000000e+00> : vector<1000x256xf32>
    %dot_general3A_46 = tpu.matmul %mul3A_37, %get3A_44, %dot_general3A_45 {dimension_numbers = #tpu.dot_dimension_numbers<[1], [1], [0], [0], [0, 0, 1, 0], [], []>, transpose_lhs_hint = false} : vector<1000x128xf32>, vector<256x128xf32>, vector<1000x256xf32> -> vector<1000x256xf32>
    %add3A_47 = arith.addf %dot_general3A_41, %dot_general3A_46 : vector<1000x256xf32>
    %get3A_48 = arith.constant 0 : index
    %get3A_49 = arith.constant 0 : index
    %get3A_50 = vector.load %arg8[%get3A_48, %get3A_49] : memref<1x256xf32, #tpu.memory_space<vmem>>, vector<1x256xf32>
    %add3A_51 = vector.broadcast %get3A_50 : vector<1x256xf32> to vector<1000x256xf32>
    %add3A_52 = arith.addf %add3A_47, %add3A_51 : vector<1000x256xf32>
    %get3A_53 = arith.constant 0 : index
    %get3A_54 = arith.constant 0 : index
    %get3A_55 = vector.load %arg4[%get3A_53, %get3A_54] : memref<1000x128xf32, #tpu.memory_space<vmem>>, vector<1000x128xf32>
    %get3A_56 = arith.constant 0 : index
    %get3A_57 = arith.constant 0 : index
    %get3A_58 = vector.load %arg7[%get3A_56, %get3A_57] : memref<256x256xf32, #tpu.memory_space<vmem>>, vector<256x128xf32>
    %dot_general3A_59 = arith.constant dense<0.000000e+00> : vector<1000x256xf32>
    %dot_general3A_60 = tpu.matmul %get3A_55, %get3A_58, %dot_general3A_59 {dimension_numbers = #tpu.dot_dimension_numbers<[1], [1], [0], [0], [0, 0, 1, 0], [], []>, transpose_lhs_hint = false} : vector<1000x128xf32>, vector<256x128xf32>, vector<1000x256xf32> -> vector<1000x256xf32>
    %add3A_61 = arith.addf %add3A_52, %dot_general3A_60 : vector<1000x256xf32>
    %get3A_62 = arith.constant 0 : index
    %get3A_63 = arith.constant 0 : index
    %get3A_64 = vector.load %arg5[%get3A_62, %get3A_63] : memref<1000x128xf32, #tpu.memory_space<vmem>>, vector<1000x128xf32>
    %get3A_65 = arith.constant 0 : index
    %get3A_66 = arith.constant 128 : index
    %get3A_67 = vector.load %arg7[%get3A_65, %get3A_66] : memref<256x256xf32, #tpu.memory_space<vmem>>, vector<256x128xf32>
    %dot_general3A_68 = arith.constant dense<0.000000e+00> : vector<1000x256xf32>
    %dot_general3A_69 = tpu.matmul %get3A_64, %get3A_67, %dot_general3A_68 {dimension_numbers = #tpu.dot_dimension_numbers<[1], [1], [0], [0], [0, 0, 1, 0], [], []>, transpose_lhs_hint = false} : vector<1000x128xf32>, vector<256x128xf32>, vector<1000x256xf32> -> vector<1000x256xf32>
    %add3A_70 = arith.addf %add3A_61, %dot_general3A_69 : vector<1000x256xf32>
    %get3A_71 = arith.constant 0 : index
    %get3A_72 = arith.constant 0 : index
    %get3A_73 = vector.load %arg9[%get3A_71, %get3A_72] : memref<256x512xf32, #tpu.memory_space<vmem>>, vector<256x256xf32>
    %get3A_74 = arith.constant 0 : index
    %get3A_75 = arith.constant 256 : index
    %get3A_76 = vector.load %arg9[%get3A_74, %get3A_75] : memref<256x512xf32, #tpu.memory_space<vmem>>, vector<256x256xf32>
    %add3A_77 = arith.addf %get3A_73, %get3A_76 : vector<256x256xf32>
    %dot_general3A_78 = arith.constant dense<0.000000e+00> : vector<1000x256xf32>
    %dot_general3A_79 = tpu.matmul %add3A_70, %add3A_77, %dot_general3A_78 {dimension_numbers = #tpu.dot_dimension_numbers<[1], [1], [0], [0], [0, 0, 1, 0], [], []>, transpose_lhs_hint = false} : vector<1000x256xf32>, vector<256x256xf32>, vector<1000x256xf32> -> vector<1000x256xf32>
    %get3A_80 = arith.constant 0 : index
    %get3A_81 = arith.constant 0 : index
    %get3A_82 = vector.load %arg10[%get3A_80, %get3A_81] : memref<1x256xf32, #tpu.memory_space<vmem>>, vector<1x256xf32>
    %add3A_83 = vector.broadcast %get3A_82 : vector<1x256xf32> to vector<1000x256xf32>
    %add3A_84 = arith.addf %dot_general3A_79, %add3A_83 : vector<1000x256xf32>
    %max3A_85 = arith.constant 0.000000e+00 : f32
    %max3A_86 = vector.broadcast %max3A_85 : f32 to vector<1000x256xf32>
    %max3A_87 = arith.maximumf %add3A_84, %max3A_86 : vector<1000x256xf32>
    %get3A_88 = arith.constant 0 : index
    %get3A_89 = arith.constant 0 : index
    %get3A_90 = vector.load %arg11[%get3A_88, %get3A_89] : memref<2x256xf32, #tpu.memory_space<vmem>>, vector<2x256xf32>
    %dot_general3A_91 = arith.constant dense<0.000000e+00> : vector<1000x2xf32>
    %dot_general3A_92 = tpu.matmul %max3A_87, %get3A_90, %dot_general3A_91 {dimension_numbers = #tpu.dot_dimension_numbers<[1], [1], [0], [0], [0, 0, 1, 0], [], []>, transpose_lhs_hint = false} : vector<1000x256xf32>, vector<2x256xf32>, vector<1000x2xf32> -> vector<1000x2xf32>
    %get3A_93 = arith.constant 0 : index
    %get3A_94 = arith.constant 0 : index
    %get3A_95 = vector.load %arg12[%get3A_93, %get3A_94] : memref<1x2xf32, #tpu.memory_space<vmem>>, vector<1x2xf32>
    %add3A_96 = vector.broadcast %get3A_95 : vector<1x2xf32> to vector<1000x2xf32>
    %add3A_97 = arith.addf %dot_general3A_92, %add3A_96 : vector<1000x2xf32>
    %swap3A = arith.constant 0 : index
    %swap3A_98 = arith.constant 0 : index
    %swap3A_99 = vector.load %arg13[%swap3A, %swap3A_98] : memref<1000x2xf32, #tpu.memory_space<vmem>>, vector<1000x2xf32>
    tpu.vector_store %arg13[%swap3A, %swap3A_98], %add3A_97 {strides = array<i32>} : memref<1000x2xf32, #tpu.memory_space<vmem>>, vector<1000x2xf32>,
    return
  }
  func.func @transform_0(%arg0: i32) -> (i32, i32, i32) {
    %c0_i32 = arith.constant 0 : i32
    %c0_i32_0 = arith.constant 0 : i32
    %c0_i32_1 = arith.constant 0 : i32
    return %c0_i32, %arg0, %c0_i32_0 : i32, i32, i32
  }
  func.func @transform_1(%arg0: i32) -> (i32, i32, i32) {
    %c0_i32 = arith.constant 0 : i32
    %c0_i32_0 = arith.constant 0 : i32
    %c0_i32_1 = arith.constant 0 : i32
    return %c0_i32, %arg0, %c0_i32_0 : i32, i32, i32
  }
  func.func @transform_2(%arg0: i32) -> (i32, i32, i32) {
    %c0_i32 = arith.constant 0 : i32
    %c0_i32_0 = arith.constant 0 : i32
    %c0_i32_1 = arith.constant 0 : i32
    return %c0_i32, %arg0, %c0_i32_0 : i32, i32, i32
  }
  func.func @transform_3(%arg0: i32) -> (i32, i32) {
    %c0_i32 = arith.constant 0 : i32
    %c0_i32_0 = arith.constant 0 : i32
    return %arg0, %c0_i32 : i32, i32
  }
  func.func @transform_4(%arg0: i32) -> (i32, i32) {
    %c0_i32 = arith.constant 0 : i32
    %c0_i32_0 = arith.constant 0 : i32
    return %arg0, %c0_i32 : i32, i32
  }
  func.func @transform_5(%arg0: i32) -> (i32, i32) {
    %c0_i32 = arith.constant 0 : i32
    %c0_i32_0 = arith.constant 0 : i32
    %c0_i32_1 = arith.constant 0 : i32
    return %c0_i32, %c0_i32_0 : i32, i32
  }
  func.func @transform_6(%arg0: i32) -> (i32, i32) {
    %c0_i32 = arith.constant 0 : i32
    %c0_i32_0 = arith.constant 0 : i32
    %c0_i32_1 = arith.constant 0 : i32
    return %c0_i32, %c0_i32_0 : i32, i32
  }
  func.func @transform_7(%arg0: i32) -> (i32, i32) {
    %c0_i32 = arith.constant 0 : i32
    %c0_i32_0 = arith.constant 0 : i32
    %c0_i32_1 = arith.constant 0 : i32
    return %c0_i32, %c0_i32_0 : i32, i32
  }
  func.func @transform_8(%arg0: i32) -> (i32, i32) {
    %c0_i32 = arith.constant 0 : i32
    %c0_i32_0 = arith.constant 0 : i32
    %c0_i32_1 = arith.constant 0 : i32
    return %c0_i32, %c0_i32_0 : i32, i32
  }
  func.func @transform_9(%arg0: i32) -> (i32, i32) {
    %c0_i32 = arith.constant 0 : i32
    %c0_i32_0 = arith.constant 0 : i32
    %c0_i32_1 = arith.constant 0 : i32
    return %c0_i32, %c0_i32_0 : i32, i32
  }
  func.func @transform_10(%arg0: i32) -> (i32, i32) {
    %c0_i32 = arith.constant 0 : i32
    %c0_i32_0 = arith.constant 0 : i32
    %c0_i32_1 = arith.constant 0 : i32
    return %c0_i32, %c0_i32_0 : i32, i32
  }
  func.func @transform_11(%arg0: i32) -> (i32, i32) {
    %c0_i32 = arith.constant 0 : i32
    %c0_i32_0 = arith.constant 0 : i32
    %c0_i32_1 = arith.constant 0 : i32
    return %c0_i32, %c0_i32_0 : i32, i32
  }
  func.func @transform_12(%arg0: i32) -> (i32, i32) {
    %c0_i32 = arith.constant 0 : i32
    %c0_i32_0 = arith.constant 0 : i32
    return %arg0, %c0_i32 : i32, i32
  }
}

</mosaic_0001>

<sc_bundles>
// kernel: kernel.10.cloned.1.call-start
scs
__scs_entry_jumppad:
0x0: {  	(pc) =	sbr.rel $0x88, $3  }
0x1: {  	(tag) =	ssettag $0x0;
	lr =	simm.s32 $0x1  }
0x2: {  	[smem:$0x3F93] =	sst lr;
	_ =	strace $0xD0000000  }
0x3: {  	_ = 	snop  }
0x4: {  	_ = 	snop  }
0x5: {  	_ = 	snop  }
0x6: {  	_ = 	snop  }
0x7: {  	_ = 	snop  }
__scs_overlays_trampoline_lowered:
0x8: {  	[smem:$0x3FA2] =	sst s0  }
0x9: {  	[smem:$0x3FA3] =	sst s1  }
0xa: {  	[smem:$0x3FA4] =	sst s2  }
0xb: {  	[smem:$0x3FA5] =	sst s3  }
0xc: {  	[smem:$0x3FA6] =	sst s4  }
0xd: {  	[smem:$0x3FA7] =	sst s5  }
0xe: {  	[smem:$0x3FA8] =	sst s6  }
0xf: {  	[smem:$0x3FA9] =	sst s7  }
0x10: {  	[smem:$0x3FAA] =	sst s8  }
0x11: {  	[smem:$0x3FAB] =	sst s9;
	s0 =	simm.s32 @!p0 $0x0  }
0x12: {  	s1 =	sld [smem:$0x3F91];
	s0 =	simm.s32 @p0 $0x1  }
0x13: {  	[smem:$0x3FAC] =	sst s0;
	s0 =	simm.s32 @!p1 $0x0  }
0x14: {  	s2 =	sld [smem:$0x3F90];
	s0 =	simm.s32 @p1 $0x1  }
0x15: {  	[smem:$0x3FAD] =	sst s0;
	s0 =	simm.s32 @!p2 $0x0  }
0x16: {  	s3 =	sld [smem:$0x3FDB];
	s0 =	simm.s32 @p2 $0x1  }
0x17: {  	s4 =	simm.s32 $0x1BF5;
	[smem:$0x3FAF] =	sst s0  }
0x18: {  	s0 =	sld [smem:$0x3F92];
	_ =	swait.ge [sflag:s4], $0x0  }
0x19: {  	s7 =	sld [smem:$0x3F93]  }
0x1a: {  	s8 =	sadd.s32 $0xFFFFE003, lr  }
0x1b: {  	s9 =	sadd.s32 $0xFFFFFEF7, lr;
	s5 =	simm.s32 $0xFFFFFFFF;
	p2 =	slt.u32 s8, $0xFFFFF086  }
0x1c: {  	p1 =	slt.u32 s9, $0xF7A;
	s5 =	simm.s32 @!p2 $0x0  }
0x1d: {  	s5 =	simm.s32 @p1 $0x1;
	p0 =	seq.s32 s7, s2  }
0x1e: {  	s7 =	smul.u32 @!p0 $0xF7A, s2;
	p2 =	seq.s32 @!p0 s5, $0x0  }
0x1f: {  	s9 =	smul.u32 $0xF7A, s1;
	s8 =	simm.s32 @!p0 $0x1BF5;
	p2 =	por !p2, p0  }
0x20: {  	[sflag:s8] =	ssyncset.s32 @!p0 $0xFFFFF086;
	s6 =	sadd.s32 @!p0 s3, s7;
	s7 =	simm.s32 @!p0 $0x108  }
0x21: {  	s3 =	sadd.s32 s3, s9;
	s6 =	sadd.s32 @!p0 $0x88, s6;
	s7 =	simm.s32 @p2 $0x1082  }
0x22: {  	[simem:s7], [sflag:s8] =	dma.local @!p0 [hbm:s6], $0xF7A  }
0x23: {  	s9 =	sor.u32 $0xD0000000, s2;
	s6 =	simm.s32 $0x108;
	_ =	swait.ge @!p0 [sflag:s8], $0x0  }
0x24: {  	s3 =	sadd.s32 $0x88, s3;
	s6 =	simm.s32 @!p1 $0x1082;
	[sflag:s4] =	ssyncset.s32 $0xFFFFF086  }
0x25: {  	[simem:s6], [sflag:s4] =	dma.local [hbm:s3], $0xF7A  }
0x26: {  	[smem:$0x3F93] =	sst s1;
	(tag) =	ssettag s2;
	_ =	strace s9  }
0x27: {  	s1 =	sld [smem:$0x3FA3]  }
0x28: {  	s2 =	sld [smem:$0x3FA4]  }
0x29: {  	s4 =	sld [smem:$0x3FA6]  }
0x2a: {  	p0 =	seq.s32 s5, $0x0;
	s5 =	sld [smem:$0x3FA7]  }
0x2b: {  	s6 =	sld [smem:$0x3FA8]  }
0x2c: {  	s7 =	sld [smem:$0x3FA9]  }
0x2d: {  	s3 =	simm.s32 $0x108;
	s8 =	sld [smem:$0x3FAA]  }
0x2e: {  	s3 =	simm.s32 @!p0 $0x1082;
	s9 =	sld [smem:$0x3FAB]  }
0x2f: {  	lr =	sadd.s32 s0, s3;
	s0 =	sld [smem:$0x3FA2]  }
0x30: {  	s3 =	sld [smem:$0x3FA5]  }
0x31: {  	[smem:$0x3FAE] =	sst s10  }
0x32: {  	s10 =	sld [smem:$0x3FAC];
	_ =	sdelay $0x3  }
0x33: {  	p0 =	seq.s32 s10, $0x1;
	s10 =	sld [smem:$0x3FAE];
	_ =	sdelay $0x3  }
0x34: {  	[smem:$0x3FAE] =	sst s10  }
0x35: {  	s10 =	sld [smem:$0x3FAD];
	_ =	sdelay $0x3  }
0x36: {  	p1 =	seq.s32 s10, $0x1;
	s10 =	sld [smem:$0x3FAE];
	_ =	sdelay $0x3  }
0x37: {  	[smem:$0x3FAE] =	sst s10  }
0x38: {  	s10 =	sld [smem:$0x3FAF]  }
0x39: {  	_ = 	snop;
	(pc) =	sbr.ind lr, $3  }
0x3a: {  	_ = 	snop  }
0x3b: {  	_ = 	snop  }
0x3c: {  	p2 =	seq.s32 s10, $0x1;
	s10 =	sld [smem:$0x3FAE]  }
0x3d: {  	_ =	shalt  }
0x3e: {  	_ =	shalt  }
0x3f: {  	_ =	shalt  }
0x40: {  	_ =	shalt  }
0x41: {  	_ =	shalt  }
0x42: {  	_ =	shalt  }
0x43: {  	_ =	shalt  }
0x44: {  	_ =	shalt  }
0x45: {  	_ =	shalt  }
0x46: {  	_ =	shalt  }
0x47: {  	_ =	shalt  }
0x48: {  	_ =	shalt  }
0x49: {  	_ =	shalt  }
0x4a: {  	_ =	shalt  }
0x4b: {  	_ =	shalt  }
0x4c: {  	_ =	shalt  }
0x4d: {  	_ =	shalt  }
0x4e: {  	_ =	shalt  }
0x4f: {  	_ =	shalt  }
0x50: {  	_ =	shalt  }
0x51: {  	_ =	shalt  }
0x52: {  	_ =	shalt  }
0x53: {  	_ =	shalt  }
0x54: {  	_ =	shalt  }
0x55: {  	_ =	shalt  }
0x56: {  	_ =	shalt  }
0x57: {  	_ =	shalt  }
0x58: {  	_ =	shalt  }
0x59: {  	_ =	shalt  }
0x5a: {  	_ =	shalt  }
0x5b: {  	_ =	shalt  }
0x5c: {  	_ =	shalt  }
0x5d: {  	_ =	shalt  }
0x5e: {  	_ =	shalt  }
0x5f: {  	_ =	shalt  }
0x60: {  	_ =	shalt  }
0x61: {  	_ =	shalt  }
0x62: {  	_ =	shalt  }
0x63: {  	_ =	shalt  }
0x64: {  	_ =	shalt  }
0x65: {  	_ =	shalt  }
0x66: {  	_ =	shalt  }
0x67: {  	_ =	shalt  }
0x68: {  	_ =	shalt  }
0x69: {  	_ =	shalt  }
0x6a: {  	_ =	shalt  }
0x6b: {  	_ =	shalt  }
0x6c: {  	_ =	shalt  }
0x6d: {  	_ =	shalt  }
0x6e: {  	_ =	shalt  }
0x6f: {  	_ =	shalt  }
0x70: {  	_ =	shalt  }
0x71: {  	_ =	shalt  }
0x72: {  	_ =	shalt  }
0x73: {  	_ =	shalt  }
0x74: {  	_ =	shalt  }
0x75: {  	_ =	shalt  }
0x76: {  	_ =	shalt  }
0x77: {  	_ =	shalt  }
0x78: {  	_ =	shalt  }
0x79: {  	_ =	shalt  }
0x7a: {  	_ =	shalt  }
0x7b: {  	_ =	shalt  }
0x7c: {  	_ =	shalt  }
0x7d: {  	_ =	shalt  }
0x7e: {  	_ =	shalt  }
0x7f: {  	_ =	shalt  }
0x80: {  	_ =	shalt  }
0x81: {  	_ =	shalt  }
0x82: {  	_ =	shalt  }
0x83: {  	_ =	shalt  }
0x84: {  	_ =	shalt  }
0x85: {  	_ =	shalt  }
0x86: {  	_ =	shalt  }
0x87: {  	_ =	shalt  }
.Lfunc_end0:
.L_simem_size_0:
called_computation.1_lowered:
.L_overlay_start_0:
0x88: {  	s2 =	sld [smem:$0x3FD9]  }
0x89: {  	s3 =	sld [smem:$0x3FFE];
	_ =	sdelay $0x1  }
0x8a: {  	s1 =	srdreg.scid  }
0x8b: {  	s0 =	sand.u32 $0x1, s1  }
0x8c: {  	s16 =	sshll.u32 s0, $0xA;
	s2 =	sadd.s32 s3, s2  }
0x8d: {  	s2 =	sadd.s32 s2, s16  }
0x8e: {  	[smem:$0x3FBA] =	sst s2  }
0x8f: {  	_ = 	snop  }
0x90: {  	(tm) =	ssettm $0x1  }
0x91: {  	s17 =	sld [smem:$0x3FFB];
	_ =	sdelay $0x3  }
0x92: {  	_ =	strace s17  }
0x93: {  	s2 =	sld [smem:$0x3FFC];
	_ =	sdelay $0x3  }
0x94: {  	_ =	strace s2  }
0x95: {  	s2 =	sld [smem:$0x3FFD];
	_ =	sdelay $0x3  }
0x96: {  	_ =	strace s2  }
0x97: {  	_ =	strace $0x8FFFFFFF  }
0x98: {  	s18 =	sld [smem:$0x3FDB];
	_ =	sdelay $0x1  }
0x99: {  	s19 =	simm.s32 $_scs_section_size  }
0x9a: {  	s4 =	simm.s32 $_size__tile_overlayer_lowered;
	s5 =	simm.s32 $_tile_overlayer_lowered  }
0x9b: {  	s22 =	simm.s32 $0x1BFF;
	s21 =	sshll.u32 s5, $0x1;
	s2 =	sadd.s32 s19, s18  }
0x9c: {  	s6 =	simm.s32 $0x0;
	s20 =	sshll.u32 s4, $0x1;
	s4 =	sadd.s32 s21, s2  }
0x9d: {  	[timem:s6], [sflag:s22] =	dma.local [hbm:s4], s20  }
0x9e: {  	_ =	swait.ge [sflag:s22], s20  }
0x9f: {  	s3 =	ssub.s32 $0x0, s20;
	[sflag:s22] =	ssyncset.done $0x0  }
0xa0: {  	[sflag:s22] =	ssyncadd.s32 s3;
	_ =	sdelay $0x1  }
0xa1: {  	s23 =	simm.s32 $0x1B8B  }
0xa2: {  	_ =	swait.ge [sflag:s23], $0x1  }
0xa3: {  	[sflag:s23] =	ssyncset.done $0x0  }
0xa4: {  	s25 =	simm.s32 $0x1B8E;
	s24 =	sld [smem:$0x3FFE];
	[sflag:s23] =	ssyncadd.s32 $0xFFFFFFFF  }
0xa5: {  	s26 =	simm.s32 $execute0_lowered;
	[smem:$0x3FD2] =	sst s25  }
0xa6: {  	s4 =	sshll.u32 s26, $0x1;
	_ =	strace $0x80000049;
	[dreg:$0x1] =	wrdreg $0xFFFFFFFF  }
0xa7: {  	s28 =	simm.s32 $_size_execute0_lowered;
	s2 =	sadd.s32 s2, s4;
	[dreg:$0x0] =	wrdreg $0x0  }
0xa8: {  	s4 =	sshll.u32 s28, $0x1;
	[dreg:$0x2] =	wrdreg s2  }
0xa9: {  	[dreg:$0x3] =	wrdreg s4  }
0xaa: {  	[dreg:$0x4] =	wrdreg $0xC0  }
0xab: {  	_ =	task [dreg:s6], $0x5FFFF  }
0xac: {  	[dreg:$0x1] =	wrdreg $0xFFFFFFFF  }
0xad: {  	[dreg:$0x0] =	wrdreg $0x60  }
0xae: {  	[dreg:$0x2] =	wrdreg s24  }
0xaf: {  	[dreg:$0x3] =	wrdreg $0xB5400  }
0xb0: {  	[dreg:$0x4] =	wrdreg $0x9  }
0xb1: {  	_ =	task.clear_ibuf [dreg:s6], $0x5FFFF;
	_ =	strace $0x90000049  }
0xb2: {  	s29 =	simm.s32 $0x9;
	_ =	strace $0x8000004B  }
0xb3: {  	_ =	swait.ge [sflag:s29], $0x1  }
0xb4: {  	[sflag:s29] =	ssyncadd.s32 $0xFFFFFFFF  }
0xb5: {  	_ =	strace $0x9000004B  }
0xb6: {  	_ =	sfence  }
0xb7: {  	s30 =	sld [smem:$0x0];
	_ =	sdelay $0x2  }
0xb8: {  	s31 =	sshll.u32 s1, $0xD;
	s1 =	sshrl.u32 s1, $0x2  }
0xb9: {  	s3 =	sand.u32 $0x4000, s31;
	s1 =	sadd.s32 s1, s30  }
0xba: {  	s0 =	sor.u32 s3, s0;
	s1 =	sshll.u32 s1, $0x11  }
0xbb: {  	s0 =	sor.u32 s1, s0  }
0xbc: {  	s0 =	sadd.s32 $0x8F2B, s0  }
0xbd: {  	[sflag:s0] =	ssyncadd.remote.s32 $0x1  }
0xbe: {  	_ =	sfence.sel $0xFFFF  }
0xbf: {  	[dreg:$0x0] =	wrdreg $0xFFFFFFFF;
	(pc) =	sbr.abs _section_cstart, $3  }
0xc0: {  	[dreg:$0x1] =	wrdreg $0xFFFFFFFF  }
0xc1: {  	_ =	task.clear_ibuf [dreg:s6], $0x2FFFF;
	_ =	strace $0x9FFFFFFF  }
0xc2: {  	(tm) =	ssettm $0x7FFFFFFF  }
0xc3: {  	_ =	shalt  }
tec
execute0_lowered:
.L_overlay_start_1:
0x0: {  	(tag) =	ssettag $0x1  }
0x1: {  	s7 =	rddreg [dreg:$0x0]  }
0x2: {  	s2 =	rddreg [dreg:$0x1];
	s3 =	srdreg.scid  }
0x3: {  	s0 =	rddreg [dreg:$0x2];
	s1 =	stileid.u32  }
0x4: {  	s13 =	simm.s32 $0x28A0;
	s16 =	simm.s32 $0x64;
	s17 =	simm.s32 $0x5140  }
0x5: {  	s18 =	simm.s32 $0x68;
	s19 =	simm.s32 $0x8340;
	s20 =	simm.s32 $0x1  }
0x6: {  	s21 =	simm.s32 $0x2;
	s22 =	simm.s32 $0x5070;
	s23 =	simm.s32 $0x50D8  }
0x7: {  	s24 =	simm.s32 $0x0;
	s6 =	sand.u32 $0x1, s3;
	s3 =	simm.s32 $0x0  }
0x8: {  	s9 =	smul.u32 $0x13880, s1;
	s5 =	sadd.s32 $0x90000, s7;
	s14 =	sshll.u32 s1, $0x6  }
0x9: {  	s4 =	sshll.u32 s6, $0x4;
	[smem:$0x7FF] =	sst s3;
	s8 =	smul.u32 $0x138800, s6  }
0xa: {  	s11 =	ssub.s32 $0x2, s6;
	s6 =	sadd.s32 $0xB7200, s7;
	s14 =	sor.u32 $0x1C03, s14  }
0xb: {  	s4 =	sor.u32 s1, s4;
	_ =	strace $0x8000004A;
	s31 =	sshrl.u32 s11, $0x1  }
0xc: {  	s15 =	sadd.s32 s9, s2;
	s10 =	smul.u32 $0x514, s4;
	s4 =	sadd.s32 $0x68E00, s7  }
0xd: {  	s8 =	sadd.s32 s9, s8;
	s11 =	ssub.s32 s11, s31;
	s15 =	sshrl.u32 s15, $0x3  }
0xe: {  	s8 =	sshrl.u32 s8, $0x3;
	s11 =	smax.u32 s11, $0x1;
	s10 =	sadd.s32 s10, s7  }
0xf: {  	s12 =	sadd.s32 s8, s7;
	s7 =	sadd.s32 $0x5EA00, s10;
	s8 =	sadd.s32 $0x54600, s10  }
0x10: {  	s9 =	sadd.s32 $0xB9A00, s12;
	s10 =	sadd.s32 $0x107C00, s12;
	s12 =	simm.s32 $0x3  }
.LBB2_1:
0x11: {  	[tilespmem:s3], [sflag:$0x3] =	stream.linear.gather [hbm4b:s7+s3], $0x28A0, $0x38;
	[tilespmem:$0x1EDC0] =	vst v63  }
0x12: {  	_ =	swait.ge [sflag:s12], $0x28A0  }
0x13: {  	[sflag:s12] =	ssyncset.done $0x0  }
0x14: {  	[sflag:s12] =	ssyncadd.s32 $0xFFFFD760  }
0x15: {  	[tilespmem:s13], [sflag:$0x3] =	stream.linear.gather [hbm4b:s8+s3], $0x28A0, $0x38;
	[tilespmem:$0x1EDC0] =	vst v63  }
0x16: {  	_ =	swait.ge [sflag:s12], $0x28A0  }
0x17: {  	[sflag:s12] =	ssyncset.done $0x0  }
0x18: {  	[sflag:s12] =	ssyncadd.s32 $0xFFFFD760  }
0x19: {  	[spmem:s15], [sflag:s14] =	dma.local [hbm:s6], $0x2710  }
0x1a: {  	_ =	swait.ge [sflag:s12], $0x2710  }
0x1b: {  	[sflag:s12] =	ssyncset.done $0x0  }
0x1c: {  	[sflag:s12] =	ssyncadd.s32 $0xFFFFD8F0  }
0x1d: {  	[bflag:$0x0] =	sbarrier.arrive $0xFFFF  }
0x1e: {  	[tilespmem:s17], [sflag:$0x1] =	stream.indirect.gather [hbm4b:s4+s16], $0x80, s3, s16, $0xb8;
	[tilespmem:$0x1EDC0] =	vst v63  }
0x1f: {  	_ = 	snop  }
0x20: {  	[tilespmem:s19], [sflag:$0x2] =	stream.indirect.gather [hbm4b:s4+s16], $0x80, s18, s16, $0xb8;
	[tilespmem:$0x1EDC0] =	vst v63  }
0x21: {  	_ =	swait.ge [sflag:s20], $0x3200  }
0x22: {  	[sflag:s20] =	ssyncset.done $0x0  }
0x23: {  	s25 =	simm.s32 $0x28A0;
	[sflag:s20] =	ssyncadd.s32 $0xFFFFCE00  }
0x24: {  	[spmem:s2] =	stream.indirect.scatter.add.f32 [tilespmem:s17], [sflag:$0x3], $0x80, s25, s16, $0xb8;
	[tilespmem:$0x1EDC0] =	vst v63  }
0x25: {  	_ =	swait.ge [sflag:s12], $0x3200  }
0x26: {  	[sflag:s12] =	ssyncset.done $0x0  }
0x27: {  	s30 =	simm.s32 $0xD0;
	[sflag:s12] =	ssyncadd.s32 $0xFFFFCE00  }
0x28: {  	[tilespmem:s17], [sflag:$0x1] =	stream.indirect.gather [hbm4b:s4+s16], $0x80, s30, s16, $0xb8;
	[tilespmem:$0x1EDC0] =	vst v63  }
0x29: {  	_ =	swait.ge [sflag:s21], $0x3200  }
0x2a: {  	[sflag:s21] =	ssyncset.done $0x0  }
0x2b: {  	s31 =	simm.s32 $0x2908;
	[sflag:s21] =	ssyncadd.s32 $0xFFFFCE00  }
0x2c: {  	[spmem:s2] =	stream.indirect.scatter.add.f32 [tilespmem:s19], [sflag:$0x3], $0x80, s31, s16, $0xb8;
	[tilespmem:$0x1EDC0] =	vst v63  }
0x2d: {  	_ =	swait.ge [sflag:s12], $0x3200  }
0x2e: {  	[sflag:s12] =	ssyncset.done $0x0  }
0x2f: {  	s26 =	simm.s32 $0x138;
	s25 =	simm.s32 $0x340;
	[sflag:s12] =	ssyncadd.s32 $0xFFFFCE00  }
.LBB2_2:
0x30: {  	[tilespmem:s19], [sflag:$0x2] =	stream.indirect.gather [hbm4b:s4+s16], $0x80, s26, s16, $0xb8;
	[tilespmem:$0x1EDC0] =	vst v63  }
0x31: {  	s26 =	smov.u32 s25  }
0x32: {  	p0 =	sne.s32 s25, $0x9C00;
	s25 =	sadd.s32 $0x340, s25;
	_ =	swait.ge [sflag:s20], $0x3200  }
0x33: {  	s26 =	sshra.s32 s26, $0x2;
	[sflag:s20] =	ssyncset.done $0x0  }
0x34: {  	s28 =	sadd.s32 $0x28A0, s26;
	[sflag:s20] =	ssyncadd.s32 $0xFFFFCE00  }
0x35: {  	[spmem:s2] =	stream.indirect.scatter.add.f32 [tilespmem:s17], [sflag:$0x3], $0x80, s28, s16, $0xb8;
	[tilespmem:$0x1EDC0] =	vst v63  }
0x36: {  	_ =	swait.ge [sflag:s12], $0x3200  }
0x37: {  	[sflag:s12] =	ssyncset.done $0x0  }
0x38: {  	s28 =	sadd.s32 $0xD0, s26;
	[sflag:s12] =	ssyncadd.s32 $0xFFFFCE00  }
0x39: {  	[tilespmem:s17], [sflag:$0x1] =	stream.indirect.gather [hbm4b:s4+s16], $0x80, s28, s16, $0xb8;
	[tilespmem:$0x1EDC0] =	vst v63  }
0x3a: {  	_ =	swait.ge [sflag:s21], $0x3200  }
0x3b: {  	[sflag:s21] =	ssyncset.done $0x0  }
.Ltmp0:
0x3c: {  	s28 =	sadd.s32 $0x2908, s26;
	[sflag:s21] =	ssyncadd.s32 $0xFFFFCE00;
	(pc) =	sbr.rel @p0 .LBB2_2-.Ltmp0, $4  }
0x3d: {  	[spmem:s2] =	stream.indirect.scatter.add.f32 [tilespmem:s19], [sflag:$0x3], $0x80, s28, s16, $0xb8;
	[tilespmem:$0x1EDC0] =	vst v63  }
0x3e: {  	_ =	swait.ge [sflag:s12], $0x3200  }
0x3f: {  	[sflag:s12] =	ssyncset.done $0x0  }
0x40: {  	s26 =	sadd.s32 $0x138, s26;
	[sflag:s12] =	ssyncadd.s32 $0xFFFFCE00  }
0x41: {  	[tilespmem:s19], [sflag:$0x2] =	stream.indirect.gather [hbm4b:s4+s16], $0x80, s26, s16, $0xb8;
	[tilespmem:$0x1EDC0] =	vst v63  }
0x42: {  	_ =	swait.ge [sflag:s20], $0x3200  }
0x43: {  	[sflag:s20] =	ssyncset.done $0x0  }
0x44: {  	[sflag:s20] =	ssyncadd.s32 $0xFFFFCE00  }
0x45: {  	[spmem:s2] =	stream.indirect.scatter.add.f32 [tilespmem:s17], [sflag:$0x3], $0x80, s22, s16, $0xb8;
	[tilespmem:$0x1EDC0] =	vst v63  }
0x46: {  	_ =	swait.ge [sflag:s12], $0x3200  }
0x47: {  	[sflag:s12] =	ssyncset.done $0x0  }
0x48: {  	[sflag:s12] =	ssyncadd.s32 $0xFFFFCE00  }
0x49: {  	_ =	swait.ge [sflag:s21], $0x3200  }
0x4a: {  	[sflag:s21] =	ssyncset.done $0x0  }
0x4b: {  	[sflag:s21] =	ssyncadd.s32 $0xFFFFCE00  }
0x4c: {  	[spmem:s2] =	stream.indirect.scatter.add.f32 [tilespmem:s19], [sflag:$0x3], $0x80, s23, s16, $0xb8;
	[tilespmem:$0x1EDC0] =	vst v63  }
0x4d: {  	_ =	swait.ge [sflag:s12], $0x3200  }
0x4e: {  	[sflag:s12] =	ssyncset.done $0x0  }
0x4f: {  	[sflag:s12] =	ssyncadd.s32 $0xFFFFCE00  }
0x50: {  	[bflag:$0x0] =	sbarrier.arrive $0xFFFF  }
0x51: {  	[hbm:s9], [sflag:s14] =	dma.local [spmem:s15], $0x2710  }
0x52: {  	_ =	swait.ge [sflag:s12], $0x2710  }
0x53: {  	[sflag:s12] =	ssyncset.done $0x0  }
0x54: {  	[sflag:s12] =	ssyncadd.s32 $0xFFFFD8F0  }
0x55: {  	[spmem:s15], [sflag:s14] =	dma.local [hbm:s6], $0x2710  }
0x56: {  	_ =	swait.ge [sflag:s12], $0x2710  }
0x57: {  	[sflag:s12] =	ssyncset.done $0x0  }
0x58: {  	[sflag:s12] =	ssyncadd.s32 $0xFFFFD8F0  }
0x59: {  	s25 =	simm.s32 $0x0;
	[bflag:$0x0] =	sbarrier.arrive $0xFFFF  }
0x5a: {  	[tilespmem:s17], [sflag:$0x1] =	stream.indirect.gather [hbm4b:s5+s16], $0x80, s25, s16, $0xb8;
	[tilespmem:$0x1EDC0] =	vst v63  }
0x5b: {  	_ = 	snop  }
0x5c: {  	[tilespmem:s19], [sflag:$0x2] =	stream.indirect.gather [hbm4b:s5+s16], $0x80, s18, s16, $0xb8;
	[tilespmem:$0x1EDC0] =	vst v63  }
0x5d: {  	_ =	swait.ge [sflag:s20], $0x3200  }
0x5e: {  	[sflag:s20] =	ssyncset.done $0x0  }
0x5f: {  	s29 =	simm.s32 $0x28A0;
	[sflag:s20] =	ssyncadd.s32 $0xFFFFCE00  }
0x60: {  	[spmem:s2] =	stream.indirect.scatter.add.f32 [tilespmem:s17], [sflag:$0x3], $0x80, s29, s16, $0xb8;
	[tilespmem:$0x1EDC0] =	vst v63  }
0x61: {  	_ =	swait.ge [sflag:s12], $0x3200  }
0x62: {  	[sflag:s12] =	ssyncset.done $0x0  }
0x63: {  	s30 =	simm.s32 $0xD0;
	[sflag:s12] =	ssyncadd.s32 $0xFFFFCE00  }
0x64: {  	[tilespmem:s17], [sflag:$0x1] =	stream.indirect.gather [hbm4b:s5+s16], $0x80, s30, s16, $0xb8;
	[tilespmem:$0x1EDC0] =	vst v63  }
0x65: {  	_ =	swait.ge [sflag:s21], $0x3200  }
0x66: {  	[sflag:s21] =	ssyncset.done $0x0  }
0x67: {  	s31 =	simm.s32 $0x2908;
	[sflag:s21] =	ssyncadd.s32 $0xFFFFCE00  }
0x68: {  	[spmem:s2] =	stream.indirect.scatter.add.f32 [tilespmem:s19], [sflag:$0x3], $0x80, s31, s16, $0xb8;
	[tilespmem:$0x1EDC0] =	vst v63  }
0x69: {  	_ =	swait.ge [sflag:s12], $0x3200  }
0x6a: {  	[sflag:s12] =	ssyncset.done $0x0  }
0x6b: {  	s26 =	simm.s32 $0x138;
	s25 =	simm.s32 $0x340;
	[sflag:s12] =	ssyncadd.s32 $0xFFFFCE00  }
.LBB2_4:
0x6c: {  	[tilespmem:s19], [sflag:$0x2] =	stream.indirect.gather [hbm4b:s5+s16], $0x80, s26, s16, $0xb8;
	[tilespmem:$0x1EDC0] =	vst v63  }
0x6d: {  	s26 =	smov.u32 s25  }
0x6e: {  	p0 =	sne.s32 s25, $0x9C00;
	s25 =	sadd.s32 $0x340, s25;
	_ =	swait.ge [sflag:s20], $0x3200  }
0x6f: {  	s26 =	sshra.s32 s26, $0x2;
	[sflag:s20] =	ssyncset.done $0x0  }
0x70: {  	s28 =	sadd.s32 $0x28A0, s26;
	[sflag:s20] =	ssyncadd.s32 $0xFFFFCE00  }
0x71: {  	[spmem:s2] =	stream.indirect.scatter.add.f32 [tilespmem:s17], [sflag:$0x3], $0x80, s28, s16, $0xb8;
	[tilespmem:$0x1EDC0] =	vst v63  }
0x72: {  	_ =	swait.ge [sflag:s12], $0x3200  }
0x73: {  	[sflag:s12] =	ssyncset.done $0x0  }
0x74: {  	s28 =	sadd.s32 $0xD0, s26;
	[sflag:s12] =	ssyncadd.s32 $0xFFFFCE00  }
0x75: {  	[tilespmem:s17], [sflag:$0x1] =	stream.indirect.gather [hbm4b:s5+s16], $0x80, s28, s16, $0xb8;
	[tilespmem:$0x1EDC0] =	vst v63  }
0x76: {  	_ =	swait.ge [sflag:s21], $0x3200  }
0x77: {  	[sflag:s21] =	ssyncset.done $0x0  }
.Ltmp1:
0x78: {  	s28 =	sadd.s32 $0x2908, s26;
	[sflag:s21] =	ssyncadd.s32 $0xFFFFCE00;
	(pc) =	sbr.rel @p0 .LBB2_4-.Ltmp1, $4  }
0x79: {  	[spmem:s2] =	stream.indirect.scatter.add.f32 [tilespmem:s19], [sflag:$0x3], $0x80, s28, s16, $0xb8;
	[tilespmem:$0x1EDC0] =	vst v63  }
0x7a: {  	_ =	swait.ge [sflag:s12], $0x3200  }
0x7b: {  	[sflag:s12] =	ssyncset.done $0x0  }
0x7c: {  	s26 =	sadd.s32 $0x138, s26;
	[sflag:s12] =	ssyncadd.s32 $0xFFFFCE00  }
0x7d: {  	[tilespmem:s19], [sflag:$0x2] =	stream.indirect.gather [hbm4b:s5+s16], $0x80, s26, s16, $0xb8;
	[tilespmem:$0x1EDC0] =	vst v63  }
0x7e: {  	_ =	swait.ge [sflag:s20], $0x3200  }
0x7f: {  	[sflag:s20] =	ssyncset.done $0x0  }
0x80: {  	[sflag:s20] =	ssyncadd.s32 $0xFFFFCE00  }
0x81: {  	[spmem:s2] =	stream.indirect.scatter.add.f32 [tilespmem:s17], [sflag:$0x3], $0x80, s22, s16, $0xb8;
	[tilespmem:$0x1EDC0] =	vst v63  }
0x82: {  	_ =	swait.ge [sflag:s12], $0x3200  }
0x83: {  	[sflag:s12] =	ssyncset.done $0x0  }
0x84: {  	[sflag:s12] =	ssyncadd.s32 $0xFFFFCE00  }
0x85: {  	_ =	swait.ge [sflag:s21], $0x3200  }
0x86: {  	[sflag:s21] =	ssyncset.done $0x0  }
0x87: {  	[sflag:s21] =	ssyncadd.s32 $0xFFFFCE00  }
0x88: {  	[spmem:s2] =	stream.indirect.scatter.add.f32 [tilespmem:s19], [sflag:$0x3], $0x80, s23, s16, $0xb8;
	[tilespmem:$0x1EDC0] =	vst v63  }
0x89: {  	_ =	swait.ge [sflag:s12], $0x3200  }
0x8a: {  	s24 =	sadd.s32 $0x1, s24;
	[sflag:s12] =	ssyncset.done $0x0  }
0x8b: {  	p0 =	sne.s32 s24, s11;
	[sflag:s12] =	ssyncadd.s32 $0xFFFFCE00  }
.Ltmp2:
0x8c: {  	[bflag:$0x0] =	sbarrier.arrive $0xFFFF;
	(pc) =	sbr.rel @p0 .LBB2_1-.Ltmp2, $4  }
0x8d: {  	[hbm:s10], [sflag:s14] =	dma.local [spmem:s15], $0x2710  }
0x8e: {  	_ =	swait.ge [sflag:s12], $0x2710  }
0x8f: {  	[sflag:s12] =	ssyncset.done $0x0  }
0x90: {  	[sflag:s12] =	ssyncadd.s32 $0xFFFFD8F0  }
0x91: {  	_ =	sfence.sel $0x180000  }
0x92: {  	[bflag:$0x0] =	sbarrier.arrive $0xFFFF  }
0x93: {  	p0 =	sne.s32 s1, $0x0;
	_ =	strace $0x9000004A  }
0x94: {  	s0 =	sadd.s32 @!p0 $0x100000, s0;
	[bflag:$0x2] =	sbarrier.arrive $0xFFFF  }
0x95: {  	[sflag:s0] =	ssyncadd.tile.s32 @!p0 $0x1;
	_ =	shalt  }
.Lfunc_end2:
_tile_overlayer_lowered:
.L_overlay_start_2:
0x96: {  	(tag) =	ssettag $0x2  }
0x97: {  	s0 =	rddreg [dreg:$0x0];
	s2 =	stileid.u32  }
0x98: {  	s1 =	rddreg [dreg:$0x1];
	p0 =	sne.s32 s2, $0x0  }
0x99: {  	s3 =	rddreg [dreg:$0x2];
	[bflag:$0x3] =	sbarrier.arrive $0xFFFF;
	s2 =	simm.s32 @!p0 $0x1C03  }
0x9a: {  	[timem:s3], [sflag:s2] =	dma.local @!p0 [hbm:s0], s1  }
0x9b: {  	s0 =	simm.s32 @!p0 $0x3  }
0x9c: {  	_ =	swait.ge @!p0 [sflag:s0], s1  }
0x9d: {  	s1 =	ssub.s32 @!p0 $0x0, s1;
	[sflag:s0] =	ssyncset.done @!p0 $0x0  }
0x9e: {  	[sflag:s0] =	ssyncadd.s32 @!p0 s1  }
0x9f: {  	[bflag:$0x3] =	sbarrier.arrive $0xFFFF  }
0xa0: {  	_ =	shalt  }

// kernel: kernel.7.cloned.1.call-start
scs
__scs_entry_jumppad:
0x0: {  	(pc) =	sbr.rel $0x88, $3  }
0x1: {  	(tag) =	ssettag $0x0;
	lr =	simm.s32 $0x1  }
0x2: {  	[smem:$0x3F93] =	sst lr;
	_ =	strace $0xD0000000  }
0x3: {  	_ = 	snop  }
0x4: {  	_ = 	snop  }
0x5: {  	_ = 	snop  }
0x6: {  	_ = 	snop  }
0x7: {  	_ = 	snop  }
__scs_overlays_trampoline_lowered:
0x8: {  	[smem:$0x3FA2] =	sst s0  }
0x9: {  	[smem:$0x3FA3] =	sst s1  }
0xa: {  	[smem:$0x3FA4] =	sst s2  }
0xb: {  	[smem:$0x3FA5] =	sst s3  }
0xc: {  	[smem:$0x3FA6] =	sst s4  }
0xd: {  	[smem:$0x3FA7] =	sst s5  }
0xe: {  	[smem:$0x3FA8] =	sst s6  }
0xf: {  	[smem:$0x3FA9] =	sst s7  }
0x10: {  	[smem:$0x3FAA] =	sst s8  }
0x11: {  	[smem:$0x3FAB] =	sst s9;
	s0 =	simm.s32 @!p0 $0x0  }
0x12: {  	s1 =	sld [smem:$0x3F91];
	s0 =	simm.s32 @p0 $0x1  }
0x13: {  	[smem:$0x3FAC] =	sst s0;
	s0 =	simm.s32 @!p1 $0x0  }
0x14: {  	s2 =	sld [smem:$0x3F90];
	s0 =	simm.s32 @p1 $0x1  }
0x15: {  	[smem:$0x3FAD] =	sst s0;
	s0 =	simm.s32 @!p2 $0x0  }
0x16: {  	s3 =	sld [smem:$0x3FDB];
	s0 =	simm.s32 @p2 $0x1  }
0x17: {  	s4 =	simm.s32 $0x1BF5;
	[smem:$0x3FAF] =	sst s0  }
0x18: {  	s0 =	sld [smem:$0x3F92];
	_ =	swait.ge [sflag:s4], $0x0  }
0x19: {  	s7 =	sld [smem:$0x3F93]  }
0x1a: {  	s8 =	sadd.s32 $0xFFFFE003, lr  }
0x1b: {  	s9 =	sadd.s32 $0xFFFFFEF7, lr;
	s5 =	simm.s32 $0xFFFFFFFF;
	p2 =	slt.u32 s8, $0xFFFFF086  }
0x1c: {  	p1 =	slt.u32 s9, $0xF7A;
	s5 =	simm.s32 @!p2 $0x0  }
0x1d: {  	s5 =	simm.s32 @p1 $0x1;
	p0 =	seq.s32 s7, s2  }
0x1e: {  	s7 =	smul.u32 @!p0 $0xF7A, s2;
	p2 =	seq.s32 @!p0 s5, $0x0  }
0x1f: {  	s9 =	smul.u32 $0xF7A, s1;
	s8 =	simm.s32 @!p0 $0x1BF5;
	p2 =	por !p2, p0  }
0x20: {  	[sflag:s8] =	ssyncset.s32 @!p0 $0xFFFFF086;
	s6 =	sadd.s32 @!p0 s3, s7;
	s7 =	simm.s32 @!p0 $0x108  }
0x21: {  	s3 =	sadd.s32 s3, s9;
	s6 =	sadd.s32 @!p0 $0x88, s6;
	s7 =	simm.s32 @p2 $0x1082  }
0x22: {  	[simem:s7], [sflag:s8] =	dma.local @!p0 [hbm:s6], $0xF7A  }
0x23: {  	s9 =	sor.u32 $0xD0000000, s2;
	s6 =	simm.s32 $0x108;
	_ =	swait.ge @!p0 [sflag:s8], $0x0  }
0x24: {  	s3 =	sadd.s32 $0x88, s3;
	s6 =	simm.s32 @!p1 $0x1082;
	[sflag:s4] =	ssyncset.s32 $0xFFFFF086  }
0x25: {  	[simem:s6], [sflag:s4] =	dma.local [hbm:s3], $0xF7A  }
0x26: {  	[smem:$0x3F93] =	sst s1;
	(tag) =	ssettag s2;
	_ =	strace s9  }
0x27: {  	s1 =	sld [smem:$0x3FA3]  }
0x28: {  	s2 =	sld [smem:$0x3FA4]  }
0x29: {  	s4 =	sld [smem:$0x3FA6]  }
0x2a: {  	p0 =	seq.s32 s5, $0x0;
	s5 =	sld [smem:$0x3FA7]  }
0x2b: {  	s6 =	sld [smem:$0x3FA8]  }
0x2c: {  	s7 =	sld [smem:$0x3FA9]  }
0x2d: {  	s3 =	simm.s32 $0x108;
	s8 =	sld [smem:$0x3FAA]  }
0x2e: {  	s3 =	simm.s32 @!p0 $0x1082;
	s9 =	sld [smem:$0x3FAB]  }
0x2f: {  	lr =	sadd.s32 s0, s3;
	s0 =	sld [smem:$0x3FA2]  }
0x30: {  	s3 =	sld [smem:$0x3FA5]  }
0x31: {  	[smem:$0x3FAE] =	sst s10  }
0x32: {  	s10 =	sld [smem:$0x3FAC];
	_ =	sdelay $0x3  }
0x33: {  	p0 =	seq.s32 s10, $0x1;
	s10 =	sld [smem:$0x3FAE];
	_ =	sdelay $0x3  }
0x34: {  	[smem:$0x3FAE] =	sst s10  }
0x35: {  	s10 =	sld [smem:$0x3FAD];
	_ =	sdelay $0x3  }
0x36: {  	p1 =	seq.s32 s10, $0x1;
	s10 =	sld [smem:$0x3FAE];
	_ =	sdelay $0x3  }
0x37: {  	[smem:$0x3FAE] =	sst s10  }
0x38: {  	s10 =	sld [smem:$0x3FAF]  }
0x39: {  	_ = 	snop;
	(pc) =	sbr.ind lr, $3  }
0x3a: {  	_ = 	snop  }
0x3b: {  	_ = 	snop  }
0x3c: {  	p2 =	seq.s32 s10, $0x1;
	s10 =	sld [smem:$0x3FAE]  }
0x3d: {  	_ =	shalt  }
0x3e: {  	_ =	shalt  }
0x3f: {  	_ =	shalt  }
0x40: {  	_ =	shalt  }
0x41: {  	_ =	shalt  }
0x42: {  	_ =	shalt  }
0x43: {  	_ =	shalt  }
0x44: {  	_ =	shalt  }
0x45: {  	_ =	shalt  }
0x46: {  	_ =	shalt  }
0x47: {  	_ =	shalt  }
0x48: {  	_ =	shalt  }
0x49: {  	_ =	shalt  }
0x4a: {  	_ =	shalt  }
0x4b: {  	_ =	shalt  }
0x4c: {  	_ =	shalt  }
0x4d: {  	_ =	shalt  }
0x4e: {  	_ =	shalt  }
0x4f: {  	_ =	shalt  }
0x50: {  	_ =	shalt  }
0x51: {  	_ =	shalt  }
0x52: {  	_ =	shalt  }
0x53: {  	_ =	shalt  }
0x54: {  	_ =	shalt  }
0x55: {  	_ =	shalt  }
0x56: {  	_ =	shalt  }
0x57: {  	_ =	shalt  }
0x58: {  	_ =	shalt  }
0x59: {  	_ =	shalt  }
0x5a: {  	_ =	shalt  }
0x5b: {  	_ =	shalt  }
0x5c: {  	_ =	shalt  }
0x5d: {  	_ =	shalt  }
0x5e: {  	_ =	shalt  }
0x5f: {  	_ =	shalt  }
0x60: {  	_ =	shalt  }
0x61: {  	_ =	shalt  }
0x62: {  	_ =	shalt  }
0x63: {  	_ =	shalt  }
0x64: {  	_ =	shalt  }
0x65: {  	_ =	shalt  }
0x66: {  	_ =	shalt  }
0x67: {  	_ =	shalt  }
0x68: {  	_ =	shalt  }
0x69: {  	_ =	shalt  }
0x6a: {  	_ =	shalt  }
0x6b: {  	_ =	shalt  }
0x6c: {  	_ =	shalt  }
0x6d: {  	_ =	shalt  }
0x6e: {  	_ =	shalt  }
0x6f: {  	_ =	shalt  }
0x70: {  	_ =	shalt  }
0x71: {  	_ =	shalt  }
0x72: {  	_ =	shalt  }
0x73: {  	_ =	shalt  }
0x74: {  	_ =	shalt  }
0x75: {  	_ =	shalt  }
0x76: {  	_ =	shalt  }
0x77: {  	_ =	shalt  }
0x78: {  	_ =	shalt  }
0x79: {  	_ =	shalt  }
0x7a: {  	_ =	shalt  }
0x7b: {  	_ =	shalt  }
0x7c: {  	_ =	shalt  }
0x7d: {  	_ =	shalt  }
0x7e: {  	_ =	shalt  }
0x7f: {  	_ =	shalt  }
0x80: {  	_ =	shalt  }
0x81: {  	_ =	shalt  }
0x82: {  	_ =	shalt  }
0x83: {  	_ =	shalt  }
0x84: {  	_ =	shalt  }
0x85: {  	_ =	shalt  }
0x86: {  	_ =	shalt  }
0x87: {  	_ =	shalt  }
.Lfunc_end0:
.L_simem_size_0:
called_computation_lowered:
.L_overlay_start_0:
0x88: {  	s2 =	sld [smem:$0x3FD9]  }
0x89: {  	s3 =	sld [smem:$0x3FFE];
	_ =	sdelay $0x1  }
0x8a: {  	s1 =	srdreg.scid  }
0x8b: {  	s0 =	sand.u32 $0x1, s1  }
0x8c: {  	s17 =	sshll.u32 s0, $0xA;
	s2 =	sadd.s32 s3, s2  }
0x8d: {  	s2 =	sadd.s32 s2, s17  }
0x8e: {  	[smem:$0x3FBA] =	sst s2  }
0x8f: {  	_ = 	snop  }
0x90: {  	s2 =	sld [smem:$0x3FD0];
	(tm) =	ssettm $0x1  }
0x91: {  	s18 =	sld [smem:$0x3FFB];
	_ =	sdelay $0x3  }
0x92: {  	_ =	strace s18  }
0x93: {  	s3 =	sld [smem:$0x3FFC];
	_ =	sdelay $0x3  }
0x94: {  	_ =	strace s3  }
0x95: {  	s3 =	sld [smem:$0x3FFD];
	_ =	sdelay $0x3  }
0x96: {  	_ =	strace s3  }
0x97: {  	_ =	strace $0x8FFFFFFF  }
0x98: {  	s19 =	sld [smem:$0x3FDB];
	_ =	sdelay $0x1  }
0x99: {  	s4 =	simm.s32 $_scs_section_size  }
0x9a: {  	s5 =	simm.s32 $_size__tile_overlayer_lowered;
	s6 =	simm.s32 $_tile_overlayer_lowered  }
0x9b: {  	s22 =	simm.s32 $0x1BFF;
	s21 =	sshll.u32 s6, $0x1;
	s3 =	sadd.s32 s4, s19  }
0x9c: {  	s7 =	simm.s32 $0x0;
	s20 =	sshll.u32 s5, $0x1;
	s5 =	sadd.s32 s21, s3  }
0x9d: {  	[timem:s7], [sflag:s22] =	dma.local [hbm:s5], s20  }
0x9e: {  	_ =	swait.ge [sflag:s22], s20  }
0x9f: {  	s4 =	ssub.s32 $0x0, s20;
	[sflag:s22] =	ssyncset.done $0x0  }
0xa0: {  	[sflag:s22] =	ssyncadd.s32 s4;
	_ =	sdelay $0x1  }
0xa1: {  	s23 =	simm.s32 $0x1B8B  }
0xa2: {  	_ =	swait.ge [sflag:s23], $0x1  }
0xa3: {  	[sflag:s23] =	ssyncset.done $0x0  }
0xa4: {  	s25 =	simm.s32 $0x1B8E;
	s24 =	sld [smem:$0x3FFE];
	[sflag:s23] =	ssyncadd.s32 $0xFFFFFFFF  }
0xa5: {  	s26 =	simm.s32 $execute0_lowered;
	[smem:$0x3FD2] =	sst s25  }
0xa6: {  	s5 =	sshll.u32 s26, $0x1;
	_ =	strace $0x80000046;
	[dreg:$0x1] =	wrdreg $0xFFFFFFFF  }
0xa7: {  	s28 =	simm.s32 $_size_execute0_lowered;
	s3 =	sadd.s32 s3, s5;
	[dreg:$0x0] =	wrdreg $0x0  }
0xa8: {  	s5 =	sshll.u32 s28, $0x1;
	[dreg:$0x2] =	wrdreg s3  }
0xa9: {  	[dreg:$0x3] =	wrdreg s5  }
0xaa: {  	[dreg:$0x4] =	wrdreg $0xC0  }
0xab: {  	_ =	task [dreg:s7], $0x5FFFF  }
0xac: {  	[dreg:$0x1] =	wrdreg $0xFFFFFFFF  }
0xad: {  	[dreg:$0x0] =	wrdreg $0x60  }
0xae: {  	[dreg:$0x2] =	wrdreg s24  }
0xaf: {  	[dreg:$0x3] =	wrdreg s2  }
0xb0: {  	[dreg:$0x4] =	wrdreg $0xB2200  }
0xb1: {  	[dreg:$0x5] =	wrdreg $0x14E600  }
0xb2: {  	[dreg:$0x6] =	wrdreg $0x9  }
0xb3: {  	_ =	task.clear_ibuf [dreg:s7], $0x7FFFF;
	_ =	strace $0x90000046  }
0xb4: {  	s29 =	simm.s32 $0x9;
	_ =	strace $0x80000048  }
0xb5: {  	_ =	swait.ge [sflag:s29], $0x1  }
0xb6: {  	[sflag:s29] =	ssyncadd.s32 $0xFFFFFFFF  }
0xb7: {  	_ =	strace $0x90000048  }
0xb8: {  	_ =	sfence  }
0xb9: {  	s30 =	sld [smem:$0x0];
	_ =	sdelay $0x2  }
0xba: {  	s31 =	sshll.u32 s1, $0xD;
	s1 =	sshrl.u32 s1, $0x2  }
0xbb: {  	s3 =	sand.u32 $0x4000, s31;
	s1 =	sadd.s32 s1, s30  }
0xbc: {  	s0 =	sor.u32 s3, s0;
	s1 =	sshll.u32 s1, $0x11  }
0xbd: {  	s0 =	sor.u32 s1, s0  }
0xbe: {  	s0 =	sadd.s32 $0x8F2B, s0  }
0xbf: {  	[sflag:s0] =	ssyncadd.remote.s32 $0x1  }
0xc0: {  	_ =	sfence.sel $0xFFFF  }
0xc1: {  	[dreg:$0x0] =	wrdreg $0xFFFFFFFF;
	(pc) =	sbr.abs _section_cstart, $3  }
0xc2: {  	[dreg:$0x1] =	wrdreg $0xFFFFFFFF  }
0xc3: {  	_ =	task.clear_ibuf [dreg:s7], $0x2FFFF;
	_ =	strace $0x9FFFFFFF  }
0xc4: {  	(tm) =	ssettm $0x7FFFFFFF  }
0xc5: {  	_ =	shalt  }
tec
execute0_lowered:
.L_overlay_start_1:
0x0: {  	(tag) =	ssettag $0x1  }
0x1: {  	s0 =	srdreg.scid;
	s1 =	rddreg [dreg:$0x0]  }
0x2: {  	s6 =	stileid.u32;
	s2 =	rddreg [dreg:$0x2]  }
0x3: {  	s13 =	simm.s32 $0x6;
	s15 =	simm.s32 $0x150D8;
	s19 =	simm.s32 $0x50  }
0x4: {  	s20 =	simm.s32 $0x4E20;
	s28 =	simm.s32 $0x9E20;
	s29 =	simm.s32 $0x1  }
0x5: {  	s30 =	simm.s32 $0x2;
	s31 =	simm.s32 $0x3;
	s14 =	simm.s32 $0x4C90  }
0x6: {  	s0 =	sand.u32 $0x1, s0;
	s8 =	smul.u32 $0x9C40, s6;
	s5 =	sadd.s32 $0x17A00, s1  }
0x7: {  	s10 =	sadd.s32 $0x2B600, s1;
	s11 =	sadd.s32 $0x2B400, s1;
	p0 =	sne.s32 s6, $0x0  }
0x8: {  	s26 =	sshll.u32 s6, $0x6;
	s3 =	sshll.u32 s0, $0x4;
	s9 =	smul.u32 $0x9C400, s0  }
0x9: {  	s21 =	smul.u32 $0x4E2, s0;
	s0 =	ssub.s32 $0x2, s0;
	s16 =	sor.u32 $0x1C06, s26  }
0xa: {  	s26 =	simm.s32 $0x4D80;
	s4 =	sor.u32 s6, s3;
	s3 =	rddreg [dreg:$0x3]  }
0xb: {  	s22 =	sshrl.u32 s0, $0x1;
	s24 =	sadd.s32 s8, s2;
	s6 =	simm.s32 $0x4DD0  }
0xc: {  	s7 =	smul.u32 $0x4E2, s4;
	s4 =	simm.s32 $0x0;
	s9 =	sadd.s32 s8, s9  }
0xd: {  	s0 =	ssub.s32 s0, s22;
	s17 =	sshrl.u32 s24, $0x3;
	s18 =	sshrl.u32 @!p0 s3, $0x3  }
0xe: {  	s22 =	simm.s32 $0x4CE0;
	s24 =	simm.s32 $0x4D30;
	[smem:$0x7FF] =	sst s4  }
0xf: {  	s9 =	sshrl.u32 s9, $0x3;
	s12 =	smax.u32 s0, $0x1;
	s0 =	simm.s32 $0x5  }
0x10: {  	_ =	strace $0x80000047;
	s7 =	sadd.s32 s7, s1;
	[dreg:$0x5] =	wrdreg s10  }
0x11: {  	[dreg:$0x6] =	wrdreg s11;
	s9 =	sadd.s32 s9, s1;
	s23 =	sadd.s32 $0xDC00, s7  }
0x12: {  	s1 =	sadd.s32 s21, s1;
	s7 =	sadd.s32 $0x3E00, s7;
	[dreg:$0x7] =	wrdreg s23  }
0x13: {  	s21 =	simm.s32 $0x6220;
	s25 =	sadd.s32 $0x2CA00, s9;
	[dreg:$0x8] =	wrdreg s7  }
0x14: {  	s11 =	sadd.s32 $0x53C00, s1;
	s1 =	simm.s32 $0x4;
	[dreg:$0x9] =	wrdreg s25  }
0x15: {  	s23 =	simm.s32 $0x7620;
	s25 =	simm.s32 $0x8A20;
	s7 =	simm.s32 $0x0  }
.LBB2_1:
0x16: {  	s8 =	rddreg [dreg:$0x7]  }
0x17: {  	[tilespmem:s4], [sflag:$0x6] =	stream.linear.gather [hbm4b:s8+s4], $0x2710, $0x38;
	[tilespmem:$0x15128] =	vst v63  }
0x18: {  	_ =	swait.ge [sflag:s13], $0x2710  }
0x19: {  	[sflag:s13] =	ssyncset.done $0x0  }
0x1a: {  	s9 =	simm.s32 $0x2710;
	s10 =	rddreg [dreg:$0x8];
	[sflag:s13] =	ssyncadd.s32 $0xFFFFD8F0  }
0x1b: {  	[tilespmem:s9], [sflag:$0x6] =	stream.linear.gather [hbm4b:s10+s4], $0x2710, $0x38;
	[tilespmem:$0x15128] =	vst v63  }
0x1c: {  	_ =	swait.ge [sflag:s13], $0x2710  }
0x1d: {  	[sflag:s13] =	ssyncset.done $0x0  }
0x1e: {  	s9 =	rddreg [dreg:$0x6];
	[sflag:s13] =	ssyncadd.s32 $0xFFFFD8F0  }
0x1f: {  	[tilespmem:s15], [sflag:$0x6] =	stream.linear.gather [hbm4b:s9+s4], $0x50, $0x38;
	[tilespmem:$0x15128] =	vst v63  }
0x20: {  	_ =	swait.ge [sflag:s13], $0x50  }
0x21: {  	[sflag:s13] =	ssyncset.done $0x0  }
0x22: {  	s10 =	rddreg [dreg:$0x5];
	[sflag:s13] =	ssyncadd.s32 $0xFFFFFFB0  }
0x23: {  	[spmem:s17], [sflag:s16] =	dma.local [hbm:s10], $0x1388  }
0x24: {  	_ =	swait.ge [sflag:s13], $0x1388  }
0x25: {  	[sflag:s13] =	ssyncset.done $0x0  }
0x26: {  	[sflag:s13] =	ssyncadd.s32 $0xFFFFEC78  }
0x27: {  	s8 =	rddreg [dreg:$0x1]  }
0x28: {  	[spmem:s18], [sflag:s16] =	dma.local @!p0 [hbm:s8], $0x4E2  }
0x29: {  	s8 =	simm.s32 @!p0 $0x6  }
0x2a: {  	_ =	swait.ge @!p0 [sflag:s8], $0x4E2  }
0x2b: {  	[sflag:s8] =	ssyncset.done @!p0 $0x0  }
0x2c: {  	[sflag:s8] =	ssyncadd.s32 @!p0 $0xFFFFFB1E  }
0x2d: {  	[bflag:$0x0] =	sbarrier.arrive $0xFFFF  }
0x2e: {  	[tilespmem:s20], [sflag:$0x1] =	stream.indirect.gather [hbm4b:s5+s19], $0x40, s4, s19, $0xb8;
	[tilespmem:$0x15128] =	vst v63  }
0x2f: {  	_ = 	snop  }
0x30: {  	[tilespmem:s21], [sflag:$0x2] =	stream.indirect.gather [hbm4b:s5+s19], $0x40, s19, s19, $0xb8;
	[tilespmem:$0x15128] =	vst v63  }
0x31: {  	s9 =	simm.s32 $0xA0  }
0x32: {  	[tilespmem:s23], [sflag:$0x3] =	stream.indirect.gather [hbm4b:s5+s19], $0x40, s9, s19, $0xb8;
	[tilespmem:$0x15128] =	vst v63  }
0x33: {  	s10 =	simm.s32 $0xF0  }
0x34: {  	[tilespmem:s25], [sflag:$0x4] =	stream.indirect.gather [hbm4b:s5+s19], $0x40, s10, s19, $0xb8;
	[tilespmem:$0x15128] =	vst v63  }
0x35: {  	s9 =	simm.s32 $0x140  }
0x36: {  	[tilespmem:s28], [sflag:$0x5] =	stream.indirect.gather [hbm4b:s5+s19], $0x40, s9, s19, $0xb8;
	[tilespmem:$0x15128] =	vst v63  }
0x37: {  	_ =	swait.ge [sflag:s29], $0x1400  }
0x38: {  	[sflag:s29] =	ssyncset.done $0x0  }
0x39: {  	s10 =	simm.s32 $0x2710;
	[sflag:s29] =	ssyncadd.s32 $0xFFFFEC00  }
0x3a: {  	[spmem:s2] =	stream.indirect.scatter.add.f32 [tilespmem:s20], [sflag:$0x6], $0x40, s10, s19, $0xb8;
	[tilespmem:$0x15128] =	vst v63  }
0x3b: {  	_ =	swait.ge [sflag:s13], $0x1400  }
0x3c: {  	[sflag:s13] =	ssyncset.done $0x0  }
0x3d: {  	[sflag:s13] =	ssyncadd.s32 $0xFFFFEC00  }
0x3e: {  	[spmem:s3] =	stream.indirect.scatter.add.f32 [tilespmem:s15], [sflag:$0x6], $0x1, s10, s19, $0xb8;
	[tilespmem:$0x15128] =	vst v63  }
0x3f: {  	_ =	swait.ge [sflag:s13], $0x50  }
0x40: {  	[sflag:s13] =	ssyncset.done $0x0  }
0x41: {  	s9 =	simm.s32 $0x190;
	[sflag:s13] =	ssyncadd.s32 $0xFFFFFFB0  }
0x42: {  	[tilespmem:s20], [sflag:$0x1] =	stream.indirect.gather [hbm4b:s5+s19], $0x40, s9, s19, $0xb8;
	[tilespmem:$0x15128] =	vst v63  }
0x43: {  	_ =	swait.ge [sflag:s30], $0x1400  }
0x44: {  	[sflag:s30] =	ssyncset.done $0x0  }
0x45: {  	s10 =	simm.s32 $0x2760;
	[sflag:s30] =	ssyncadd.s32 $0xFFFFEC00  }
0x46: {  	[spmem:s2] =	stream.indirect.scatter.add.f32 [tilespmem:s21], [sflag:$0x6], $0x40, s10, s19, $0xb8;
	[tilespmem:$0x15128] =	vst v63  }
0x47: {  	_ =	swait.ge [sflag:s13], $0x1400  }
0x48: {  	[sflag:s13] =	ssyncset.done $0x0  }
0x49: {  	[sflag:s13] =	ssyncadd.s32 $0xFFFFEC00  }
0x4a: {  	[spmem:s3] =	stream.indirect.scatter.add.f32 [tilespmem:s15], [sflag:$0x6], $0x1, s10, s19, $0xb8;
	[tilespmem:$0x15128] =	vst v63  }
0x4b: {  	_ =	swait.ge [sflag:s13], $0x50  }
0x4c: {  	[sflag:s13] =	ssyncset.done $0x0  }
0x4d: {  	s9 =	simm.s32 $0x1E0;
	[sflag:s13] =	ssyncadd.s32 $0xFFFFFFB0  }
0x4e: {  	[tilespmem:s21], [sflag:$0x2] =	stream.indirect.gather [hbm4b:s5+s19], $0x40, s9, s19, $0xb8;
	[tilespmem:$0x15128] =	vst v63  }
0x4f: {  	_ =	swait.ge [sflag:s31], $0x1400  }
0x50: {  	[sflag:s31] =	ssyncset.done $0x0  }
0x51: {  	s10 =	simm.s32 $0x27B0;
	[sflag:s31] =	ssyncadd.s32 $0xFFFFEC00  }
0x52: {  	[spmem:s2] =	stream.indirect.scatter.add.f32 [tilespmem:s23], [sflag:$0x6], $0x40, s10, s19, $0xb8;
	[tilespmem:$0x15128] =	vst v63  }
0x53: {  	_ =	swait.ge [sflag:s13], $0x1400  }
0x54: {  	[sflag:s13] =	ssyncset.done $0x0  }
0x55: {  	[sflag:s13] =	ssyncadd.s32 $0xFFFFEC00  }
0x56: {  	[spmem:s3] =	stream.indirect.scatter.add.f32 [tilespmem:s15], [sflag:$0x6], $0x1, s10, s19, $0xb8;
	[tilespmem:$0x15128] =	vst v63  }
0x57: {  	_ =	swait.ge [sflag:s13], $0x50  }
0x58: {  	[sflag:s13] =	ssyncset.done $0x0  }
0x59: {  	s9 =	simm.s32 $0x230;
	[sflag:s13] =	ssyncadd.s32 $0xFFFFFFB0  }
0x5a: {  	[tilespmem:s23], [sflag:$0x3] =	stream.indirect.gather [hbm4b:s5+s19], $0x40, s9, s19, $0xb8;
	[tilespmem:$0x15128] =	vst v63  }
0x5b: {  	_ =	swait.ge [sflag:s1], $0x1400  }
0x5c: {  	[sflag:s1] =	ssyncset.done $0x0  }
0x5d: {  	s10 =	simm.s32 $0x2800;
	[sflag:s1] =	ssyncadd.s32 $0xFFFFEC00  }
0x5e: {  	[spmem:s2] =	stream.indirect.scatter.add.f32 [tilespmem:s25], [sflag:$0x6], $0x40, s10, s19, $0xb8;
	[tilespmem:$0x15128] =	vst v63  }
0x5f: {  	_ =	swait.ge [sflag:s13], $0x1400  }
0x60: {  	[sflag:s13] =	ssyncset.done $0x0  }
0x61: {  	[sflag:s13] =	ssyncadd.s32 $0xFFFFEC00  }
0x62: {  	[spmem:s3] =	stream.indirect.scatter.add.f32 [tilespmem:s15], [sflag:$0x6], $0x1, s10, s19, $0xb8;
	[tilespmem:$0x15128] =	vst v63  }
0x63: {  	_ =	swait.ge [sflag:s13], $0x50  }
0x64: {  	[sflag:s13] =	ssyncset.done $0x0  }
0x65: {  	s9 =	simm.s32 $0x280;
	[sflag:s13] =	ssyncadd.s32 $0xFFFFFFB0  }
0x66: {  	[tilespmem:s25], [sflag:$0x4] =	stream.indirect.gather [hbm4b:s5+s19], $0x40, s9, s19, $0xb8;
	[tilespmem:$0x15128] =	vst v63  }
0x67: {  	_ =	swait.ge [sflag:s0], $0x1400  }
0x68: {  	[sflag:s0] =	ssyncset.done $0x0  }
0x69: {  	s10 =	simm.s32 $0x2850;
	[sflag:s0] =	ssyncadd.s32 $0xFFFFEC00  }
0x6a: {  	[spmem:s2] =	stream.indirect.scatter.add.f32 [tilespmem:s28], [sflag:$0x6], $0x40, s10, s19, $0xb8;
	[tilespmem:$0x15128] =	vst v63  }
0x6b: {  	_ =	swait.ge [sflag:s13], $0x1400  }
0x6c: {  	[sflag:s13] =	ssyncset.done $0x0  }
0x6d: {  	[sflag:s13] =	ssyncadd.s32 $0xFFFFEC00  }
0x6e: {  	[spmem:s3] =	stream.indirect.scatter.add.f32 [tilespmem:s15], [sflag:$0x6], $0x1, s10, s19, $0xb8;
	[tilespmem:$0x15128] =	vst v63  }
0x6f: {  	_ =	swait.ge [sflag:s13], $0x50  }
0x70: {  	[sflag:s13] =	ssyncset.done $0x0  }
0x71: {  	s8 =	simm.s32 $0x640;
	s9 =	simm.s32 $0x2D0;
	[sflag:s13] =	ssyncadd.s32 $0xFFFFFFB0  }
.LBB2_2:
0x72: {  	[tilespmem:s28], [sflag:$0x5] =	stream.indirect.gather [hbm4b:s5+s19], $0x40, s9, s19, $0xb8;
	[tilespmem:$0x15128] =	vst v63  }
0x73: {  	s9 =	smov.u32 s8  }
0x74: {  	p1 =	sne.s32 s8, $0x8FC0;
	s8 =	sadd.s32 $0x640, s8;
	_ =	swait.ge [sflag:s29], $0x1400  }
0x75: {  	s9 =	sshra.s32 s9, $0x2;
	[sflag:s29] =	ssyncset.done $0x0  }
0x76: {  	s10 =	sadd.s32 $0x2710, s9;
	[sflag:s29] =	ssyncadd.s32 $0xFFFFEC00  }
0x77: {  	[spmem:s2] =	stream.indirect.scatter.add.f32 [tilespmem:s20], [sflag:$0x6], $0x40, s10, s19, $0xb8;
	[tilespmem:$0x15128] =	vst v63  }
0x78: {  	_ =	swait.ge [sflag:s13], $0x1400  }
0x79: {  	[sflag:s13] =	ssyncset.done $0x0  }
0x7a: {  	[sflag:s13] =	ssyncadd.s32 $0xFFFFEC00  }
0x7b: {  	[spmem:s3] =	stream.indirect.scatter.add.f32 [tilespmem:s15], [sflag:$0x6], $0x1, s10, s19, $0xb8;
	[tilespmem:$0x15128] =	vst v63  }
0x7c: {  	_ =	swait.ge [sflag:s13], $0x50  }
0x7d: {  	[sflag:s13] =	ssyncset.done $0x0  }
0x7e: {  	s10 =	sadd.s32 $0x190, s9;
	[sflag:s13] =	ssyncadd.s32 $0xFFFFFFB0  }
0x7f: {  	[tilespmem:s20], [sflag:$0x1] =	stream.indirect.gather [hbm4b:s5+s19], $0x40, s10, s19, $0xb8;
	[tilespmem:$0x15128] =	vst v63  }
0x80: {  	_ =	swait.ge [sflag:s30], $0x1400  }
0x81: {  	[sflag:s30] =	ssyncset.done $0x0  }
0x82: {  	s10 =	sadd.s32 $0x2760, s9;
	[sflag:s30] =	ssyncadd.s32 $0xFFFFEC00  }
0x83: {  	[spmem:s2] =	stream.indirect.scatter.add.f32 [tilespmem:s21], [sflag:$0x6], $0x40, s10, s19, $0xb8;
	[tilespmem:$0x15128] =	vst v63  }
0x84: {  	_ =	swait.ge [sflag:s13], $0x1400  }
0x85: {  	[sflag:s13] =	ssyncset.done $0x0  }
0x86: {  	[sflag:s13] =	ssyncadd.s32 $0xFFFFEC00  }
0x87: {  	[spmem:s3] =	stream.indirect.scatter.add.f32 [tilespmem:s15], [sflag:$0x6], $0x1, s10, s19, $0xb8;
	[tilespmem:$0x15128] =	vst v63  }
0x88: {  	_ =	swait.ge [sflag:s13], $0x50  }
0x89: {  	[sflag:s13] =	ssyncset.done $0x0  }
0x8a: {  	s10 =	sadd.s32 $0x1E0, s9;
	[sflag:s13] =	ssyncadd.s32 $0xFFFFFFB0  }
0x8b: {  	[tilespmem:s21], [sflag:$0x2] =	stream.indirect.gather [hbm4b:s5+s19], $0x40, s10, s19, $0xb8;
	[tilespmem:$0x15128] =	vst v63  }
0x8c: {  	_ =	swait.ge [sflag:s31], $0x1400  }
0x8d: {  	[sflag:s31] =	ssyncset.done $0x0  }
0x8e: {  	s10 =	sadd.s32 $0x27B0, s9;
	[sflag:s31] =	ssyncadd.s32 $0xFFFFEC00  }
0x8f: {  	[spmem:s2] =	stream.indirect.scatter.add.f32 [tilespmem:s23], [sflag:$0x6], $0x40, s10, s19, $0xb8;
	[tilespmem:$0x15128] =	vst v63  }
0x90: {  	_ =	swait.ge [sflag:s13], $0x1400  }
0x91: {  	[sflag:s13] =	ssyncset.done $0x0  }
0x92: {  	[sflag:s13] =	ssyncadd.s32 $0xFFFFEC00  }
0x93: {  	[spmem:s3] =	stream.indirect.scatter.add.f32 [tilespmem:s15], [sflag:$0x6], $0x1, s10, s19, $0xb8;
	[tilespmem:$0x15128] =	vst v63  }
0x94: {  	_ =	swait.ge [sflag:s13], $0x50  }
0x95: {  	[sflag:s13] =	ssyncset.done $0x0  }
0x96: {  	s10 =	sadd.s32 $0x230, s9;
	[sflag:s13] =	ssyncadd.s32 $0xFFFFFFB0  }
0x97: {  	[tilespmem:s23], [sflag:$0x3] =	stream.indirect.gather [hbm4b:s5+s19], $0x40, s10, s19, $0xb8;
	[tilespmem:$0x15128] =	vst v63  }
0x98: {  	_ =	swait.ge [sflag:s1], $0x1400  }
0x99: {  	[sflag:s1] =	ssyncset.done $0x0  }
0x9a: {  	s10 =	sadd.s32 $0x2800, s9;
	[sflag:s1] =	ssyncadd.s32 $0xFFFFEC00  }
0x9b: {  	[spmem:s2] =	stream.indirect.scatter.add.f32 [tilespmem:s25], [sflag:$0x6], $0x40, s10, s19, $0xb8;
	[tilespmem:$0x15128] =	vst v63  }
0x9c: {  	_ =	swait.ge [sflag:s13], $0x1400  }
0x9d: {  	[sflag:s13] =	ssyncset.done $0x0  }
0x9e: {  	[sflag:s13] =	ssyncadd.s32 $0xFFFFEC00  }
0x9f: {  	[spmem:s3] =	stream.indirect.scatter.add.f32 [tilespmem:s15], [sflag:$0x6], $0x1, s10, s19, $0xb8;
	[tilespmem:$0x15128] =	vst v63  }
0xa0: {  	_ =	swait.ge [sflag:s13], $0x50  }
0xa1: {  	[sflag:s13] =	ssyncset.done $0x0  }
0xa2: {  	s10 =	sadd.s32 $0x280, s9;
	[sflag:s13] =	ssyncadd.s32 $0xFFFFFFB0  }
0xa3: {  	[tilespmem:s25], [sflag:$0x4] =	stream.indirect.gather [hbm4b:s5+s19], $0x40, s10, s19, $0xb8;
	[tilespmem:$0x15128] =	vst v63  }
0xa4: {  	_ =	swait.ge [sflag:s0], $0x1400  }
0xa5: {  	[sflag:s0] =	ssyncset.done $0x0  }
0xa6: {  	s10 =	sadd.s32 $0x2850, s9;
	[sflag:s0] =	ssyncadd.s32 $0xFFFFEC00  }
0xa7: {  	[spmem:s2] =	stream.indirect.scatter.add.f32 [tilespmem:s28], [sflag:$0x6], $0x40, s10, s19, $0xb8;
	[tilespmem:$0x15128] =	vst v63  }
0xa8: {  	_ =	swait.ge [sflag:s13], $0x1400  }
0xa9: {  	[sflag:s13] =	ssyncset.done $0x0  }
.Ltmp0:
0xaa: {  	[sflag:s13] =	ssyncadd.s32 $0xFFFFEC00;
	(pc) =	sbr.rel @p1 .LBB2_2-.Ltmp0, $4  }
0xab: {  	[spmem:s3] =	stream.indirect.scatter.add.f32 [tilespmem:s15], [sflag:$0x6], $0x1, s10, s19, $0xb8;
	[tilespmem:$0x15128] =	vst v63  }
0xac: {  	_ =	swait.ge [sflag:s13], $0x50  }
0xad: {  	[sflag:s13] =	ssyncset.done $0x0  }
0xae: {  	s9 =	sadd.s32 $0x2D0, s9;
	[sflag:s13] =	ssyncadd.s32 $0xFFFFFFB0  }
0xaf: {  	[tilespmem:s28], [sflag:$0x5] =	stream.indirect.gather [hbm4b:s5+s19], $0x40, s9, s19, $0xb8;
	[tilespmem:$0x15128] =	vst v63  }
0xb0: {  	_ =	swait.ge [sflag:s29], $0x1400  }
0xb1: {  	[sflag:s29] =	ssyncset.done $0x0  }
0xb2: {  	[sflag:s29] =	ssyncadd.s32 $0xFFFFEC00  }
0xb3: {  	[spmem:s2] =	stream.indirect.scatter.add.f32 [tilespmem:s20], [sflag:$0x6], $0x40, s14, s19, $0xb8;
	[tilespmem:$0x15128] =	vst v63  }
0xb4: {  	_ =	swait.ge [sflag:s13], $0x1400  }
0xb5: {  	[sflag:s13] =	ssyncset.done $0x0  }
0xb6: {  	[sflag:s13] =	ssyncadd.s32 $0xFFFFEC00  }
0xb7: {  	[spmem:s3] =	stream.indirect.scatter.add.f32 [tilespmem:s15], [sflag:$0x6], $0x1, s14, s19, $0xb8;
	[tilespmem:$0x15128] =	vst v63  }
0xb8: {  	_ =	swait.ge [sflag:s13], $0x50  }
0xb9: {  	[sflag:s13] =	ssyncset.done $0x0  }
0xba: {  	[sflag:s13] =	ssyncadd.s32 $0xFFFFFFB0  }
0xbb: {  	_ =	swait.ge [sflag:s30], $0x1400  }
0xbc: {  	[sflag:s30] =	ssyncset.done $0x0  }
0xbd: {  	[sflag:s30] =	ssyncadd.s32 $0xFFFFEC00  }
0xbe: {  	[spmem:s2] =	stream.indirect.scatter.add.f32 [tilespmem:s21], [sflag:$0x6], $0x40, s22, s19, $0xb8;
	[tilespmem:$0x15128] =	vst v63  }
0xbf: {  	_ =	swait.ge [sflag:s13], $0x1400  }
0xc0: {  	[sflag:s13] =	ssyncset.done $0x0  }
0xc1: {  	[sflag:s13] =	ssyncadd.s32 $0xFFFFEC00  }
0xc2: {  	[spmem:s3] =	stream.indirect.scatter.add.f32 [tilespmem:s15], [sflag:$0x6], $0x1, s22, s19, $0xb8;
	[tilespmem:$0x15128] =	vst v63  }
0xc3: {  	_ =	swait.ge [sflag:s13], $0x50  }
0xc4: {  	[sflag:s13] =	ssyncset.done $0x0  }
0xc5: {  	[sflag:s13] =	ssyncadd.s32 $0xFFFFFFB0  }
0xc6: {  	_ =	swait.ge [sflag:s31], $0x1400  }
0xc7: {  	[sflag:s31] =	ssyncset.done $0x0  }
0xc8: {  	[sflag:s31] =	ssyncadd.s32 $0xFFFFEC00  }
0xc9: {  	[spmem:s2] =	stream.indirect.scatter.add.f32 [tilespmem:s23], [sflag:$0x6], $0x40, s24, s19, $0xb8;
	[tilespmem:$0x15128] =	vst v63  }
0xca: {  	_ =	swait.ge [sflag:s13], $0x1400  }
0xcb: {  	[sflag:s13] =	ssyncset.done $0x0  }
0xcc: {  	[sflag:s13] =	ssyncadd.s32 $0xFFFFEC00  }
0xcd: {  	[spmem:s3] =	stream.indirect.scatter.add.f32 [tilespmem:s15], [sflag:$0x6], $0x1, s24, s19, $0xb8;
	[tilespmem:$0x15128] =	vst v63  }
0xce: {  	_ =	swait.ge [sflag:s13], $0x50  }
0xcf: {  	[sflag:s13] =	ssyncset.done $0x0  }
0xd0: {  	[sflag:s13] =	ssyncadd.s32 $0xFFFFFFB0  }
0xd1: {  	_ =	swait.ge [sflag:s1], $0x1400  }
0xd2: {  	[sflag:s1] =	ssyncset.done $0x0  }
0xd3: {  	[sflag:s1] =	ssyncadd.s32 $0xFFFFEC00  }
0xd4: {  	[spmem:s2] =	stream.indirect.scatter.add.f32 [tilespmem:s25], [sflag:$0x6], $0x40, s26, s19, $0xb8;
	[tilespmem:$0x15128] =	vst v63  }
0xd5: {  	_ =	swait.ge [sflag:s13], $0x1400  }
0xd6: {  	[sflag:s13] =	ssyncset.done $0x0  }
0xd7: {  	[sflag:s13] =	ssyncadd.s32 $0xFFFFEC00  }
0xd8: {  	[spmem:s3] =	stream.indirect.scatter.add.f32 [tilespmem:s15], [sflag:$0x6], $0x1, s26, s19, $0xb8;
	[tilespmem:$0x15128] =	vst v63  }
0xd9: {  	_ =	swait.ge [sflag:s13], $0x50  }
0xda: {  	[sflag:s13] =	ssyncset.done $0x0  }
0xdb: {  	[sflag:s13] =	ssyncadd.s32 $0xFFFFFFB0  }
0xdc: {  	_ =	swait.ge [sflag:s0], $0x1400  }
0xdd: {  	[sflag:s0] =	ssyncset.done $0x0  }
0xde: {  	[sflag:s0] =	ssyncadd.s32 $0xFFFFEC00  }
0xdf: {  	[spmem:s2] =	stream.indirect.scatter.add.f32 [tilespmem:s28], [sflag:$0x6], $0x40, s6, s19, $0xb8;
	[tilespmem:$0x15128] =	vst v63  }
0xe0: {  	_ =	swait.ge [sflag:s13], $0x1400  }
0xe1: {  	[sflag:s13] =	ssyncset.done $0x0  }
0xe2: {  	[sflag:s13] =	ssyncadd.s32 $0xFFFFEC00  }
0xe3: {  	[spmem:s3] =	stream.indirect.scatter.add.f32 [tilespmem:s15], [sflag:$0x6], $0x1, s6, s19, $0xb8;
	[tilespmem:$0x15128] =	vst v63  }
0xe4: {  	_ =	swait.ge [sflag:s13], $0x50  }
0xe5: {  	[sflag:s13] =	ssyncset.done $0x0  }
0xe6: {  	[sflag:s13] =	ssyncadd.s32 $0xFFFFFFB0  }
0xe7: {  	[bflag:$0x0] =	sbarrier.arrive $0xFFFF  }
0xe8: {  	s8 =	rddreg [dreg:$0x9]  }
0xe9: {  	[hbm:s8], [sflag:s16] =	dma.local [spmem:s17], $0x1388  }
0xea: {  	s7 =	sadd.s32 $0x1, s7;
	_ =	swait.ge [sflag:s13], $0x1388  }
0xeb: {  	p1 =	sne.s32 s7, s12;
	[sflag:s13] =	ssyncset.done $0x0  }
.Ltmp1:
0xec: {  	s8 =	simm.s32 @!p0 $0x6;
	[sflag:s13] =	ssyncadd.s32 $0xFFFFEC78;
	(pc) =	sbr.rel @p1 .LBB2_1-.Ltmp1, $4  }
0xed: {  	[hbm:s11], [sflag:s16] =	dma.local @!p0 [spmem:s18], $0x4E2  }
0xee: {  	_ =	swait.ge @!p0 [sflag:s8], $0x4E2  }
0xef: {  	[sflag:s8] =	ssyncset.done @!p0 $0x0  }
0xf0: {  	[sflag:s8] =	ssyncadd.s32 @!p0 $0xFFFFFB1E  }
0xf1: {  	_ =	sfence.sel $0x180000  }
0xf2: {  	[bflag:$0x0] =	sbarrier.arrive $0xFFFF  }
0xf3: {  	_ =	strace $0x90000047  }
0xf4: {  	[bflag:$0x2] =	sbarrier.arrive $0xFFFF  }
0xf5: {  	s0 =	rddreg [dreg:$0x4]  }
0xf6: {  	s0 =	sadd.s32 @!p0 $0x100000, s0  }
0xf7: {  	[sflag:s0] =	ssyncadd.tile.s32 @!p0 $0x1;
	_ =	shalt  }
.Lfunc_end2:
_tile_overlayer_lowered:
.L_overlay_start_2:
0xf8: {  	(tag) =	ssettag $0x2  }
0xf9: {  	s0 =	rddreg [dreg:$0x0];
	s2 =	stileid.u32  }
0xfa: {  	s1 =	rddreg [dreg:$0x1];
	p0 =	sne.s32 s2, $0x0  }
0xfb: {  	s3 =	rddreg [dreg:$0x2];
	[bflag:$0x3] =	sbarrier.arrive $0xFFFF;
	s2 =	simm.s32 @!p0 $0x1C06  }
0xfc: {  	[timem:s3], [sflag:s2] =	dma.local @!p0 [hbm:s0], s1  }
0xfd: {  	s0 =	simm.s32 @!p0 $0x6  }
0xfe: {  	_ =	swait.ge @!p0 [sflag:s0], s1  }
0xff: {  	s1 =	ssub.s32 @!p0 $0x0, s1;
	[sflag:s0] =	ssyncset.done @!p0 $0x0  }
0x100: {  	[sflag:s0] =	ssyncadd.s32 @!p0 s1  }
0x101: {  	[bflag:$0x3] =	sbarrier.arrive $0xFFFF  }
0x102: {  	_ =	shalt  }

</sc_bundles>
